<compile_context>
chip_gen: v7x
topology: tpu7x:2x2x1
jax: 0.10.2.dev20260603
libtpu: 0.0.44.dev20260713+nightly
codegen_flags: <defaults>
</compile_context>

<pallas_src>
import math

import jax
import jax.numpy as jnp
from jax import lax
from jax.experimental import pallas as pl
from jax.experimental.pallas import tpu as pltpu
from jax.experimental.pallas import tpu_sc as plsc

L = 16
F = 2
T = 262144
NMIN = 16
NMAX = 131072
_B_GROWTH = math.exp((math.log(NMAX) - math.log(NMIN)) / (L - 1))
_NS = [int(math.floor(NMIN * _B_GROWTH ** l)) for l in range(L)]
_PI2_32 = -1640531535

N = 262144
NC = 2
NSUB = 16
NW = NC * NSUB
PPW = N // NW
BK = 512
NBLK = PPW // BK
VL = 16
GPL = T // 8

_STAGED = [0, 1, 2, 3]
_LOC_CNT = [-(-((_NS[l] + 1) ** 2) // 8) for l in _STAGED]
_LOC_OFF = [sum(_LOC_CNT[:i]) for i in range(len(_STAGED))]
LOCG = sum(_LOC_CNT)


def _corner_indices(xyv, off, nl, dense):
    xoff = ((off >> 7) << 8) + (off & jnp.int32(127))
    xx = jnp.clip(xyv[pl.ds(xoff, VL)], 0.0, 1.0)
    yy = jnp.clip(xyv[pl.ds(xoff + 128, VL)], 0.0, 1.0)
    px = xx * jnp.float32(nl)
    py = yy * jnp.float32(nl)
    x0 = px.astype(jnp.int32)
    y0 = py.astype(jnp.int32)
    wx = px - x0.astype(jnp.float32)
    wy = py - y0.astype(jnp.float32)
    x1 = jnp.minimum(x0 + 1, nl)
    y1 = jnp.minimum(y0 + 1, nl)
    if dense:
        r00 = x0 * (nl + 1) + y0
        r10 = x1 * (nl + 1) + y0
        r01 = x0 * (nl + 1) + y1
        r11 = x1 * (nl + 1) + y1
    else:
        m = jnp.int32(T - 1)
        h0 = y0 * jnp.int32(_PI2_32)
        h1 = y1 * jnp.int32(_PI2_32)
        r00 = (x0 ^ h0) & m
        r10 = (x1 ^ h0) & m
        r01 = (x0 ^ h1) & m
        r11 = (x1 ^ h1) & m
    return (r00, r10, r01, r11), wx, wy


def _lerp(fs, wx, wy):
    (f00a, f00b), (f10a, f10b), (f01a, f01b), (f11a, f11b) = fs
    fa0 = f00a + wx * (f10a - f00a)
    fa1 = f01a + wx * (f11a - f01a)
    fb0 = f00b + wx * (f10b - f00b)
    fb1 = f01b + wx * (f11b - f01b)
    return fa0 + wy * (fa1 - fa0), fb0 + wy * (fb1 - fb0)


def _body(xy_hbm, tab_hbm, out_hbm, xyv, wxv0, wyv0, wxv1, wyv1,
          idxv0, subv0, idxv1, subv1, rowsv0, rowsv1, outv, locv, sem0, sem1):
    c = lax.axis_index("c")
    s = lax.axis_index("s")
    wid = s * NC + c

    lanes = lax.iota(jnp.int32, VL)
    tabg = tab_hbm
    bufs = [(wxv0, wyv0, idxv0, subv0, rowsv0, sem0),
            (wxv1, wyv1, idxv1, subv1, rowsv1, sem1)]
    HL = [l for l in range(L) if l not in _STAGED]

    for i, l in enumerate(_STAGED):
        pltpu.sync_copy(
            tabg.at[pl.ds(jnp.int32(l * GPL), _LOC_CNT[i])],
            locv.at[pl.ds(jnp.int32(_LOC_OFF[i]), _LOC_CNT[i])],
        )

    def _idx_phase(l, wxv, wyv, idxv, subv):
        nl = _NS[l]
        dense = (nl + 1) * (nl + 1) <= T
        gbase = jnp.int32(l * GPL)

        def idx_step(j, _):
            off = j * jnp.int32(VL)
            rs, wx, wy = _corner_indices(xyv, off, nl, dense)
            wxv[pl.ds(off, VL)] = wx
            wyv[pl.ds(off, VL)] = wy
            for ci, r in enumerate(rs):
                idxv[pl.ds(jnp.int32(ci * BK) + off, VL)] = gbase + (r >> 3)
                subv[pl.ds(jnp.int32(ci * BK) + off, VL)] = (r & jnp.int32(7)) * 2
            return 0

        lax.fori_loop(jnp.int32(0), jnp.int32(BK // VL), idx_step, 0,
                      unroll=False)

    def _interp_phase(l, wxv, wyv, subv, rowsv):
        def interp_step(j, _):
            off = j * jnp.int32(VL)
            fs = []
            for ci in range(4):
                seg = jnp.int32(ci * BK) + off
                g = seg + lanes
                sub = subv[pl.ds(seg, VL)]
                fs.append((plsc.load_gather(rowsv, [g, sub]),
                           plsc.load_gather(rowsv, [g, sub + 1])))
            wx = wxv[pl.ds(off, VL)]
            wy = wyv[pl.ds(off, VL)]
            fa, fb = _lerp(fs, wx, wy)
            cl = 2 * l
            flat = (jnp.int32((cl >> 3) * 4096 + (cl & 7) * 128)
                    + (off >> 7) * jnp.int32(1024) + (off & jnp.int32(127)) + lanes)
            plsc.store_scatter(outv, [flat], fa)
            plsc.store_scatter(outv, [flat + 128], fb)
            return 0

        lax.fori_loop(jnp.int32(0), jnp.int32(BK // VL), interp_step, 0,
                      unroll=False)

    def block(b, carry):
        base = wid * jnp.int32(PPW) + b * jnp.int32(BK)
        pltpu.sync_copy(xy_hbm.at[pl.ds(base * 2, 2 * BK)], xyv)

        wxv, wyv, idxv, subv, rowsv, sem = bufs[0]
        _idx_phase(HL[0], wxv, wyv, idxv, subv)
        copies = [None, None]
        copies[0] = pltpu.async_copy(tabg.at[idxv], rowsv, sem)

        for i, l in enumerate(_STAGED):
            nl = _NS[l]
            loc0 = jnp.int32(_LOC_OFF[i])

            def staged_step(j, _, nl=nl, loc0=loc0, l=l):
                off = j * jnp.int32(VL)
                rs, wx, wy = _corner_indices(xyv, off, nl, True)
                fs = []
                for r in rs:
                    g = loc0 + (r >> 3)
                    sub = (r & jnp.int32(7)) * 2
                    fs.append((plsc.load_gather(locv, [g, sub]),
                               plsc.load_gather(locv, [g, sub + 1])))
                fa, fb = _lerp(fs, wx, wy)
                cl = 2 * l
                flat = (jnp.int32((cl >> 3) * 4096 + (cl & 7) * 128)
                        + (off >> 7) * jnp.int32(1024)
                        + (off & jnp.int32(127)) + lanes)
                plsc.store_scatter(outv, [flat], fa)
                plsc.store_scatter(outv, [flat + 128], fb)
                return 0

            lax.fori_loop(jnp.int32(0), jnp.int32(BK // VL), staged_step, 0,
                          unroll=False)

        for i, l in enumerate(HL):
            if i + 1 < len(HL):
                wxn, wyn, idxn, subn, rowsn, semn = bufs[(i + 1) % 2]
                _idx_phase(HL[i + 1], wxn, wyn, idxn, subn)
                copies[(i + 1) % 2] = pltpu.async_copy(
                    tabg.at[idxn], rowsn, semn
                )
            wxv, wyv, idxv, subv, rowsv, sem = bufs[i % 2]
            copies[i % 2].wait()
            _interp_phase(l, wxv, wyv, subv, rowsv)

        for tr in range(4):
            pltpu.sync_copy(
                outv.at[pl.ds(jnp.int32(tr * 4096), 4096)],
                out_hbm.at[pl.ds(jnp.int32(tr * 2097152) + base * 8, 4096)],
            )
        return carry

    lax.fori_loop(jnp.int32(0), jnp.int32(NBLK), block, 0, unroll=False)


def _relayout_body(tabp_hbm, tabi_hbm, inv, outv):
    c = lax.axis_index("c")
    s = lax.axis_index("s")
    wid = s * NC + c
    lanes = lax.iota(jnp.int32, VL)
    sub_hi = (lanes >> 3) << 4
    sub_lo = (lanes & jnp.int32(7)) << 1

    def lvl(l, carry):
        in0 = (l * jnp.int32(4096) + wid * jnp.int32(128)) * jnp.int32(128)
        out0 = (l * jnp.int32(32768) + wid * jnp.int32(1024)) * jnp.int32(16)
        pltpu.sync_copy(tabp_hbm.at[pl.ds(in0, 16384)], inv)

        def ustep(u, _):
            ub = u * jnp.int32(256)
            for k in range(8):
                f0 = inv[pl.ds(ub + 16 * k, VL)]
                f1 = inv[pl.ds(ub + 128 + 16 * k, VL)]
                dst = ub + jnp.int32(32 * k) + sub_hi + sub_lo
                plsc.store_scatter(outv, [dst], f0)
                plsc.store_scatter(outv, [dst + 1], f1)
            return 0

        lax.fori_loop(jnp.int32(0), jnp.int32(64), ustep, 0, unroll=False)
        pltpu.sync_copy(outv, tabi_hbm.at[pl.ds(out0, 16384)])
        return carry

    lax.fori_loop(jnp.int32(0), jnp.int32(L), lvl, 0, unroll=False)


@jax.jit
def _relayout(tabp):
    mesh = plsc.VectorSubcoreMesh(
        core_axis_name="c", subcore_axis_name="s", num_cores=NC, num_subcores=NSUB
    )
    return pl.kernel(
        _relayout_body,
        out_type=jax.ShapeDtypeStruct((L * T * F,), jnp.float32),
        mesh=mesh,
        scratch_types=[
            pltpu.VMEM((16384,), jnp.float32),
            pltpu.VMEM((16384,), jnp.float32),
        ],
        compiler_params=pltpu.CompilerParams(
            needs_layout_passes=False, use_tc_tiling_on_sc=False
        ),
    )(tabp)


@jax.jit
def _encode(xyflat, tab):
    mesh = plsc.VectorSubcoreMesh(
        core_axis_name="c", subcore_axis_name="s", num_cores=NC, num_subcores=NSUB
    )
    return pl.kernel(
        _body,
        out_type=jax.ShapeDtypeStruct((N * 2 * L,), jnp.float32),
        mesh=mesh,
        scratch_types=[
            pltpu.VMEM((2 * BK,), jnp.float32),
            pltpu.VMEM((BK,), jnp.float32),
            pltpu.VMEM((BK,), jnp.float32),
            pltpu.VMEM((BK,), jnp.float32),
            pltpu.VMEM((BK,), jnp.float32),
            pltpu.VMEM((4 * BK,), jnp.int32),
            pltpu.VMEM((4 * BK,), jnp.int32),
            pltpu.VMEM((4 * BK,), jnp.int32),
            pltpu.VMEM((4 * BK,), jnp.int32),
            pltpu.VMEM((4 * BK, 16), jnp.float32),
            pltpu.VMEM((4 * BK, 16), jnp.float32),
            pltpu.VMEM((BK * 2 * L,), jnp.float32),
            pltpu.VMEM((LOCG, 16), jnp.float32),
            pltpu.SemaphoreType.DMA,
            pltpu.SemaphoreType.DMA,
        ],
        compiler_params=pltpu.CompilerParams(
            needs_layout_passes=False, use_tc_tiling_on_sc=False
        ),
    )(xyflat, tab)


def kernel(xy, tables):
    xyflat = (
        xy.astype(jnp.float32)
        .reshape(N // 128, 128, 2)
        .transpose(0, 2, 1)
        .reshape(2 * N)
    )
    tabp = (
        tables.astype(jnp.float32)
        .reshape(L, T // 128, 128, F)
        .transpose(0, 1, 3, 2)
        .reshape(L * T * F)
    )
    tabi = _relayout(tabp).reshape(L * T * F // 16, 16)
    out = _encode(xyflat, tabi)
    return (
        out.reshape(4, N // 128, 8, 128)
        .transpose(1, 3, 0, 2)
        .reshape(N, 2 * L)
    )

# --- scband reference (transcript-rebuilt; emitter-appended) ---
"""Pipeline reference for scband-hash-encoder2-d-57930518888962 (READ-ONLY COPY).

The authoritative reference and input builder live on the scoring server;
editing this copy changes nothing except your own understanding.
"""

import math
import jax, jax.numpy as jnp
import numpy as np
jax.config.update("jax_enable_x64", True)

L = 16
F = 2
T = 262144
NMIN = 16
NMAX = 131072
B_GROWTH = math.exp((math.log(NMAX) - math.log(NMIN)) / (L - 1))
NS = [int(math.floor(NMIN * B_GROWTH ** l)) for l in range(L)]
PI1 = 1
PI2 = 2654435761


def setup_inputs(seed: int = 0) -> dict:
    key = jax.random.key(seed)
    k1, k2 = jax.random.split(key)
    xy = jax.random.uniform(k1, (262144, 2), dtype=jnp.float32)
    tables = jax.random.uniform(k2, (L, T, F), dtype=jnp.float32, minval=-1e-4, maxval=1e-4)
    return {"xy": xy, "tables": tables}


def _encode(xy, tables):
    xy = jnp.clip(xy, 0.0, 1.0)
    feats = []
    for l in range(L):
        Nl = NS[l]
        table = tables[l]
        p = xy * Nl
        p0 = jnp.floor(p).astype(jnp.int64)
        p1 = jnp.clip(p0 + 1, None, Nl)
        w = p - p0.astype(p.dtype)
        w_eff = w  # smoothstep=False
        x0, y0 = p0[:, 0], p0[:, 1]
        x1, y1 = p1[:, 0], p1[:, 1]
        if (Nl + 1) * (Nl + 1) <= T:
            def dense_idx(xi, yi):
                return xi * (Nl + 1) + yi
            idx00 = dense_idx(x0, y0)
            idx10 = dense_idx(x1, y0)
            idx01 = dense_idx(x0, y1)
            idx11 = dense_idx(x1, y1)
        else:
            def hash_xy(xi, yi):
                h = xi * PI1 ^ yi * PI2
                return jnp.remainder(h, T)
            idx00 = hash_xy(x0, y0)
            idx10 = hash_xy(x1, y0)
            idx01 = hash_xy(x0, y1)
            idx11 = hash_xy(x1, y1)
        f00 = jnp.take(table, idx00, axis=0)
        f10 = jnp.take(table, idx10, axis=0)
        f01 = jnp.take(table, idx01, axis=0)
        f11 = jnp.take(table, idx11, axis=0)
        wx, wy = w_eff[:, 0:1], w_eff[:, 1:2]
        f0 = f00 * (1 - wx) + f10 * wx
        f1 = f01 * (1 - wx) + f11 * wx
        f = f0 * (1 - wy) + f1 * wy
        feats.append(f)
    return jnp.concatenate(feats, axis=1)


def reference(xy, tables):
    return _encode(xy, tables)

if __name__ == "__main__":
    import jax
    _d = setup_inputs()
    print(jax.jit(kernel)(*tuple(_d.values())))

</pallas_src>

<mosaic_0001>
#map = affine_map<(d0, d1) -> (0)>
module attributes {stable_mosaic.version = 14 : i64} {
  func.func @_relayout_body(%arg0: i32, %arg1: i32, %arg2: memref<8388608xf32, #tpu.memory_space<hbm>>, %arg3: memref<8388608xf32, #tpu.memory_space<hbm>>, %arg4: memref<16384xf32, #tpu.memory_space<vmem>>, %arg5: memref<16384xf32, #tpu.memory_space<vmem>>) attributes {dimension_semantics = [#tpu.dimension_semantics<core_parallel>, #tpu.dimension_semantics<subcore_parallel>], iteration_bounds = array<i64: 2, 16>, scalar_prefetch = 0 : i64, scratch_operands = 2 : i64, tpu.core_type = #tpu.core_type<sc_vector_subcore>, window_params = [{transform_indices = #map}, {transform_indices = #map}]} {
    %mul3A = arith.constant 2 : i32
    %mul3A_0 = arith.muli %arg1, %mul3A : i32
    %add3A = arith.addi %mul3A_0, %arg0 : i32
    %iota3A = tpu.iota {dimensions = array<i32: 0>} : vector<16xi32>
    %shift_right_arithmetic3A = arith.constant 3 : i32
    %shift_right_arithmetic3A_1 = vector.broadcast %shift_right_arithmetic3A : i32 to vector<16xi32>
    %shift_right_arithmetic3A_2 = arith.shrsi %iota3A, %shift_right_arithmetic3A_1 : vector<16xi32>
    %shift_left3A = arith.constant 4 : i32
    %shift_left3A_3 = vector.broadcast %shift_left3A : i32 to vector<16xi32>
    %shift_left3A_4 = arith.shli %shift_right_arithmetic3A_2, %shift_left3A_3 : vector<16xi32>
    %and3A = arith.constant 7 : i32
    %and3A_5 = vector.broadcast %and3A : i32 to vector<16xi32>
    %and3A_6 = arith.andi %iota3A, %and3A_5 : vector<16xi32>
    %shift_left3A_7 = arith.constant 1 : i32
    %shift_left3A_8 = vector.broadcast %shift_left3A_7 : i32 to vector<16xi32>
    %shift_left3A_9 = arith.shli %and3A_6, %shift_left3A_8 : vector<16xi32>
    %while3A = arith.constant 0 : i64
    %while3A_10 = arith.constant 0 : i32
    %while3A_11 = arith.constant 16 : i32
    %while3A_12 = arith.subi %while3A_11, %while3A_10 : i32
    %while3A_13 = arith.addi %while3A_10, %while3A_12 : i32
    %while3A_14 = arith.constant 1 : i32
    %while3A_15 = arith.divsi %while3A_12, %while3A_14 : i32
    %while3A_16 = arith.muli %while3A_15, %while3A_14 : i32
    %while3A_17 = arith.addi %while3A_10, %while3A_16 : i32
    %while3A_18 = arith.constant 1 : i32
    scf.for %while3A_20 = %while3A_10 to %while3A_17 step %while3A_18  : i32 {
      %mul3A_21 = arith.constant 4096 : i32
      %mul3A_22 = arith.muli %while3A_20, %mul3A_21 : i32
      %mul3A_23 = arith.constant 128 : i32
      %mul3A_24 = arith.muli %add3A, %mul3A_23 : i32
      %add3A_25 = arith.addi %mul3A_22, %mul3A_24 : i32
      %mul3A_26 = arith.constant 128 : i32
      %mul3A_27 = arith.muli %add3A_25, %mul3A_26 : i32
      %mul3A_28 = arith.constant 32768 : i32
      %mul3A_29 = arith.muli %while3A_20, %mul3A_28 : i32
      %mul3A_30 = arith.constant 1024 : i32
      %mul3A_31 = arith.muli %add3A, %mul3A_30 : i32
      %add3A_32 = arith.addi %mul3A_29, %mul3A_31 : i32
      %mul3A_33 = arith.constant 16 : i32
      %mul3A_34 = arith.muli %add3A_32, %mul3A_33 : i32
      "tpu.region"() ({
        %run_scoped3A = tpu.sem_alloc : memref<!tpu.dma_semaphore, #tpu.memory_space<semaphore_mem>>
        %dma_start3A = tpu.memref_slice %arg2[%mul3A_27] : memref<8388608xf32, #tpu.memory_space<hbm>> -> memref<16384xf32, #tpu.memory_space<hbm>>
        %dma_start3A_48 = tpu.memref_slice %arg2[%mul3A_27] : memref<8388608xf32, #tpu.memory_space<hbm>> -> memref<16384xf32, #tpu.memory_space<hbm>>
        tpu.enqueue_dma source(%dma_start3A_48 : memref<16384xf32, #tpu.memory_space<hbm>>) target(%arg4 : memref<16384xf32, #tpu.memory_space<vmem>>) target_semaphore(%run_scoped3A : memref<!tpu.dma_semaphore, #tpu.memory_space<semaphore_mem>>)
        %dma_wait3A = tpu.memref_slice %arg2[%mul3A_27] : memref<8388608xf32, #tpu.memory_space<hbm>> -> memref<16384xf32, #tpu.memory_space<hbm>>
        %dma_wait3A_49 = tpu.memref_slice %arg2[%mul3A_27] : memref<8388608xf32, #tpu.memory_space<hbm>> -> memref<16384xf32, #tpu.memory_space<hbm>>
        tpu.wait_dma2 semaphore(%run_scoped3A : memref<!tpu.dma_semaphore, #tpu.memory_space<semaphore_mem>>) src(%dma_wait3A_49 : memref<16384xf32, #tpu.memory_space<hbm>>) dst(%arg4 : memref<16384xf32, #tpu.memory_space<vmem>>)
        tpu.yield
      }) : () -> ()
      %while3A_35 = arith.constant 0 : i32
      %while3A_36 = arith.constant 64 : i32
      %while3A_37 = arith.constant 0 : i64
      %while3A_38 = arith.subi %while3A_36, %while3A_35 : i32
      %while3A_39 = arith.addi %while3A_35, %while3A_38 : i32
      %while3A_40 = arith.constant 1 : i32
      %while3A_41 = arith.divsi %while3A_38, %while3A_40 : i32
      %while3A_42 = arith.muli %while3A_41, %while3A_40 : i32
      %while3A_43 = arith.addi %while3A_35, %while3A_42 : i32
      %while3A_44 = arith.constant 1 : i32
      %while3A_45 = scf.for %while3A_48 = %while3A_35 to %while3A_43 step %while3A_44 iter_args(%while3A_49 = %while3A_37) -> (i64)  : i32 {
        %mul3A_50 = arith.constant 256 : i32
        %mul3A_51 = arith.muli %while3A_48, %mul3A_50 : i32
        %add3A_52 = arith.constant 0 : i32
        %add3A_53 = arith.addi %mul3A_51, %add3A_52 : i32
        %get3A = arith.index_cast %add3A_53 : i32 to index
        %get3A_54 = tpu.vector_load %arg4[%get3A] {strides = array<i32>} : memref<16384xf32, #tpu.memory_space<vmem>>, vector<16xf32>,
        %add3A_55 = arith.constant 128 : i32
        %add3A_56 = arith.addi %mul3A_51, %add3A_55 : i32
        %add3A_57 = arith.constant 0 : i32
        %add3A_58 = arith.addi %add3A_56, %add3A_57 : i32
        %get3A_59 = arith.index_cast %add3A_58 : i32 to index
        %get3A_60 = tpu.vector_load %arg4[%get3A_59] {strides = array<i32>} : memref<16384xf32, #tpu.memory_space<vmem>>, vector<16xf32>,
        %add3A_61 = arith.constant 0 : i32
        %add3A_62 = arith.addi %mul3A_51, %add3A_61 : i32
        %add3A_63 = vector.broadcast %add3A_62 : i32 to vector<16xi32>
        %add3A_64 = arith.addi %add3A_63, %shift_left3A_4 : vector<16xi32>
        %add3A_65 = arith.addi %add3A_64, %shift_left3A_9 : vector<16xi32>
        tpu.vector_store_idx %arg5[%add3A_65], %get3A_54 : memref<16384xf32, #tpu.memory_space<vmem>>[vector<16xi32>], vector<16xf32>,
        %add3A_66 = arith.constant 1 : i32
        %add3A_67 = vector.broadcast %add3A_66 : i32 to vector<16xi32>
        %add3A_68 = arith.addi %add3A_65, %add3A_67 : vector<16xi32>
        tpu.vector_store_idx %arg5[%add3A_68], %get3A_60 : memref<16384xf32, #tpu.memory_space<vmem>>[vector<16xi32>], vector<16xf32>,
        %add3A_69 = arith.constant 16 : i32
        %add3A_70 = arith.addi %mul3A_51, %add3A_69 : i32
        %get3A_71 = arith.index_cast %add3A_70 : i32 to index
        %get3A_72 = tpu.vector_load %arg4[%get3A_71] {strides = array<i32>} : memref<16384xf32, #tpu.memory_space<vmem>>, vector<16xf32>,
        %add3A_73 = arith.constant 128 : i32
        %add3A_74 = arith.addi %mul3A_51, %add3A_73 : i32
        %add3A_75 = arith.constant 16 : i32
        %add3A_76 = arith.addi %add3A_74, %add3A_75 : i32
        %get3A_77 = arith.index_cast %add3A_76 : i32 to index
        %get3A_78 = tpu.vector_load %arg4[%get3A_77] {strides = array<i32>} : memref<16384xf32, #tpu.memory_space<vmem>>, vector<16xf32>,
        %add3A_79 = arith.constant 32 : i32
        %add3A_80 = arith.addi %mul3A_51, %add3A_79 : i32
        %add3A_81 = vector.broadcast %add3A_80 : i32 to vector<16xi32>
        %add3A_82 = arith.addi %add3A_81, %shift_left3A_4 : vector<16xi32>
        %add3A_83 = arith.addi %add3A_82, %shift_left3A_9 : vector<16xi32>
        tpu.vector_store_idx %arg5[%add3A_83], %get3A_72 : memref<16384xf32, #tpu.memory_space<vmem>>[vector<16xi32>], vector<16xf32>,
        %add3A_84 = arith.constant 1 : i32
        %add3A_85 = vector.broadcast %add3A_84 : i32 to vector<16xi32>
        %add3A_86 = arith.addi %add3A_83, %add3A_85 : vector<16xi32>
        tpu.vector_store_idx %arg5[%add3A_86], %get3A_78 : memref<16384xf32, #tpu.memory_space<vmem>>[vector<16xi32>], vector<16xf32>,
        %add3A_87 = arith.constant 32 : i32
        %add3A_88 = arith.addi %mul3A_51, %add3A_87 : i32
        %get3A_89 = arith.index_cast %add3A_88 : i32 to index
        %get3A_90 = tpu.vector_load %arg4[%get3A_89] {strides = array<i32>} : memref<16384xf32, #tpu.memory_space<vmem>>, vector<16xf32>,
        %add3A_91 = arith.constant 128 : i32
        %add3A_92 = arith.addi %mul3A_51, %add3A_91 : i32
        %add3A_93 = arith.constant 32 : i32
        %add3A_94 = arith.addi %add3A_92, %add3A_93 : i32
        %get3A_95 = arith.index_cast %add3A_94 : i32 to index
        %get3A_96 = tpu.vector_load %arg4[%get3A_95] {strides = array<i32>} : memref<16384xf32, #tpu.memory_space<vmem>>, vector<16xf32>,
        %add3A_97 = arith.constant 64 : i32
        %add3A_98 = arith.addi %mul3A_51, %add3A_97 : i32
        %add3A_99 = vector.broadcast %add3A_98 : i32 to vector<16xi32>
        %add3A_100 = arith.addi %add3A_99, %shift_left3A_4 : vector<16xi32>
        %add3A_101 = arith.addi %add3A_100, %shift_left3A_9 : vector<16xi32>
        tpu.vector_store_idx %arg5[%add3A_101], %get3A_90 : memref<16384xf32, #tpu.memory_space<vmem>>[vector<16xi32>], vector<16xf32>,
        %add3A_102 = arith.constant 1 : i32
        %add3A_103 = vector.broadcast %add3A_102 : i32 to vector<16xi32>
        %add3A_104 = arith.addi %add3A_101, %add3A_103 : vector<16xi32>
        tpu.vector_store_idx %arg5[%add3A_104], %get3A_96 : memref<16384xf32, #tpu.memory_space<vmem>>[vector<16xi32>], vector<16xf32>,
        %add3A_105 = arith.constant 48 : i32
        %add3A_106 = arith.addi %mul3A_51, %add3A_105 : i32
        %get3A_107 = arith.index_cast %add3A_106 : i32 to index
        %get3A_108 = tpu.vector_load %arg4[%get3A_107] {strides = array<i32>} : memref<16384xf32, #tpu.memory_space<vmem>>, vector<16xf32>,
        %add3A_109 = arith.constant 128 : i32
        %add3A_110 = arith.addi %mul3A_51, %add3A_109 : i32
        %add3A_111 = arith.constant 48 : i32
        %add3A_112 = arith.addi %add3A_110, %add3A_111 : i32
        %get3A_113 = arith.index_cast %add3A_112 : i32 to index
        %get3A_114 = tpu.vector_load %arg4[%get3A_113] {strides = array<i32>} : memref<16384xf32, #tpu.memory_space<vmem>>, vector<16xf32>,
        %add3A_115 = arith.constant 96 : i32
        %add3A_116 = arith.addi %mul3A_51, %add3A_115 : i32
        %add3A_117 = vector.broadcast %add3A_116 : i32 to vector<16xi32>
        %add3A_118 = arith.addi %add3A_117, %shift_left3A_4 : vector<16xi32>
        %add3A_119 = arith.addi %add3A_118, %shift_left3A_9 : vector<16xi32>
        tpu.vector_store_idx %arg5[%add3A_119], %get3A_108 : memref<16384xf32, #tpu.memory_space<vmem>>[vector<16xi32>], vector<16xf32>,
        %add3A_120 = arith.constant 1 : i32
        %add3A_121 = vector.broadcast %add3A_120 : i32 to vector<16xi32>
        %add3A_122 = arith.addi %add3A_119, %add3A_121 : vector<16xi32>
        tpu.vector_store_idx %arg5[%add3A_122], %get3A_114 : memref<16384xf32, #tpu.memory_space<vmem>>[vector<16xi32>], vector<16xf32>,
        %add3A_123 = arith.constant 64 : i32
        %add3A_124 = arith.addi %mul3A_51, %add3A_123 : i32
        %get3A_125 = arith.index_cast %add3A_124 : i32 to index
        %get3A_126 = tpu.vector_load %arg4[%get3A_125] {strides = array<i32>} : memref<16384xf32, #tpu.memory_space<vmem>>, vector<16xf32>,
        %add3A_127 = arith.constant 128 : i32
        %add3A_128 = arith.addi %mul3A_51, %add3A_127 : i32
        %add3A_129 = arith.constant 64 : i32
        %add3A_130 = arith.addi %add3A_128, %add3A_129 : i32
        %get3A_131 = arith.index_cast %add3A_130 : i32 to index
        %get3A_132 = tpu.vector_load %arg4[%get3A_131] {strides = array<i32>} : memref<16384xf32, #tpu.memory_space<vmem>>, vector<16xf32>,
        %add3A_133 = arith.constant 128 : i32
        %add3A_134 = arith.addi %mul3A_51, %add3A_133 : i32
        %add3A_135 = vector.broadcast %add3A_134 : i32 to vector<16xi32>
        %add3A_136 = arith.addi %add3A_135, %shift_left3A_4 : vector<16xi32>
        %add3A_137 = arith.addi %add3A_136, %shift_left3A_9 : vector<16xi32>
        tpu.vector_store_idx %arg5[%add3A_137], %get3A_126 : memref<16384xf32, #tpu.memory_space<vmem>>[vector<16xi32>], vector<16xf32>,
        %add3A_138 = arith.constant 1 : i32
        %add3A_139 = vector.broadcast %add3A_138 : i32 to vector<16xi32>
        %add3A_140 = arith.addi %add3A_137, %add3A_139 : vector<16xi32>
        tpu.vector_store_idx %arg5[%add3A_140], %get3A_132 : memref<16384xf32, #tpu.memory_space<vmem>>[vector<16xi32>], vector<16xf32>,
        %add3A_141 = arith.constant 80 : i32
        %add3A_142 = arith.addi %mul3A_51, %add3A_141 : i32
        %get3A_143 = arith.index_cast %add3A_142 : i32 to index
        %get3A_144 = tpu.vector_load %arg4[%get3A_143] {strides = array<i32>} : memref<16384xf32, #tpu.memory_space<vmem>>, vector<16xf32>,
        %add3A_145 = arith.constant 128 : i32
        %add3A_146 = arith.addi %mul3A_51, %add3A_145 : i32
        %add3A_147 = arith.constant 80 : i32
        %add3A_148 = arith.addi %add3A_146, %add3A_147 : i32
        %get3A_149 = arith.index_cast %add3A_148 : i32 to index
        %get3A_150 = tpu.vector_load %arg4[%get3A_149] {strides = array<i32>} : memref<16384xf32, #tpu.memory_space<vmem>>, vector<16xf32>,
        %add3A_151 = arith.constant 160 : i32
        %add3A_152 = arith.addi %mul3A_51, %add3A_151 : i32
        %add3A_153 = vector.broadcast %add3A_152 : i32 to vector<16xi32>
        %add3A_154 = arith.addi %add3A_153, %shift_left3A_4 : vector<16xi32>
        %add3A_155 = arith.addi %add3A_154, %shift_left3A_9 : vector<16xi32>
        tpu.vector_store_idx %arg5[%add3A_155], %get3A_144 : memref<16384xf32, #tpu.memory_space<vmem>>[vector<16xi32>], vector<16xf32>,
        %add3A_156 = arith.constant 1 : i32
        %add3A_157 = vector.broadcast %add3A_156 : i32 to vector<16xi32>
        %add3A_158 = arith.addi %add3A_155, %add3A_157 : vector<16xi32>
        tpu.vector_store_idx %arg5[%add3A_158], %get3A_150 : memref<16384xf32, #tpu.memory_space<vmem>>[vector<16xi32>], vector<16xf32>,
        %add3A_159 = arith.constant 96 : i32
        %add3A_160 = arith.addi %mul3A_51, %add3A_159 : i32
        %get3A_161 = arith.index_cast %add3A_160 : i32 to index
        %get3A_162 = tpu.vector_load %arg4[%get3A_161] {strides = array<i32>} : memref<16384xf32, #tpu.memory_space<vmem>>, vector<16xf32>,
        %add3A_163 = arith.constant 128 : i32
        %add3A_164 = arith.addi %mul3A_51, %add3A_163 : i32
        %add3A_165 = arith.constant 96 : i32
        %add3A_166 = arith.addi %add3A_164, %add3A_165 : i32
        %get3A_167 = arith.index_cast %add3A_166 : i32 to index
        %get3A_168 = tpu.vector_load %arg4[%get3A_167] {strides = array<i32>} : memref<16384xf32, #tpu.memory_space<vmem>>, vector<16xf32>,
        %add3A_169 = arith.constant 192 : i32
        %add3A_170 = arith.addi %mul3A_51, %add3A_169 : i32
        %add3A_171 = vector.broadcast %add3A_170 : i32 to vector<16xi32>
        %add3A_172 = arith.addi %add3A_171, %shift_left3A_4 : vector<16xi32>
        %add3A_173 = arith.addi %add3A_172, %shift_left3A_9 : vector<16xi32>
        tpu.vector_store_idx %arg5[%add3A_173], %get3A_162 : memref<16384xf32, #tpu.memory_space<vmem>>[vector<16xi32>], vector<16xf32>,
        %add3A_174 = arith.constant 1 : i32
        %add3A_175 = vector.broadcast %add3A_174 : i32 to vector<16xi32>
        %add3A_176 = arith.addi %add3A_173, %add3A_175 : vector<16xi32>
        tpu.vector_store_idx %arg5[%add3A_176], %get3A_168 : memref<16384xf32, #tpu.memory_space<vmem>>[vector<16xi32>], vector<16xf32>,
        %add3A_177 = arith.constant 112 : i32
        %add3A_178 = arith.addi %mul3A_51, %add3A_177 : i32
        %get3A_179 = arith.index_cast %add3A_178 : i32 to index
        %get3A_180 = tpu.vector_load %arg4[%get3A_179] {strides = array<i32>} : memref<16384xf32, #tpu.memory_space<vmem>>, vector<16xf32>,
        %add3A_181 = arith.constant 128 : i32
        %add3A_182 = arith.addi %mul3A_51, %add3A_181 : i32
        %add3A_183 = arith.constant 112 : i32
        %add3A_184 = arith.addi %add3A_182, %add3A_183 : i32
        %get3A_185 = arith.index_cast %add3A_184 : i32 to index
        %get3A_186 = tpu.vector_load %arg4[%get3A_185] {strides = array<i32>} : memref<16384xf32, #tpu.memory_space<vmem>>, vector<16xf32>,
        %add3A_187 = arith.constant 224 : i32
        %add3A_188 = arith.addi %mul3A_51, %add3A_187 : i32
        %add3A_189 = vector.broadcast %add3A_188 : i32 to vector<16xi32>
        %add3A_190 = arith.addi %add3A_189, %shift_left3A_4 : vector<16xi32>
        %add3A_191 = arith.addi %add3A_190, %shift_left3A_9 : vector<16xi32>
        tpu.vector_store_idx %arg5[%add3A_191], %get3A_180 : memref<16384xf32, #tpu.memory_space<vmem>>[vector<16xi32>], vector<16xf32>,
        %add3A_192 = arith.constant 1 : i32
        %add3A_193 = vector.broadcast %add3A_192 : i32 to vector<16xi32>
        %add3A_194 = arith.addi %add3A_191, %add3A_193 : vector<16xi32>
        tpu.vector_store_idx %arg5[%add3A_194], %get3A_186 : memref<16384xf32, #tpu.memory_space<vmem>>[vector<16xi32>], vector<16xf32>,
        %while3A_195 = arith.constant 0 : i64
        scf.yield %while3A_195 : i64
      }
      %while3A_46 = arith.constant 1 : i32
      %while3A_47 = scf.for %while3A_48 = %while3A_43 to %while3A_39 step %while3A_46 iter_args(%while3A_49 = %while3A_45) -> (i64)  : i32 {
        %mul3A_50 = arith.constant 256 : i32
        %mul3A_51 = arith.muli %while3A_48, %mul3A_50 : i32
        %add3A_52 = arith.constant 0 : i32
        %add3A_53 = arith.addi %mul3A_51, %add3A_52 : i32
        %get3A = arith.index_cast %add3A_53 : i32 to index
        %get3A_54 = tpu.vector_load %arg4[%get3A] {strides = array<i32>} : memref<16384xf32, #tpu.memory_space<vmem>>, vector<16xf32>,
        %add3A_55 = arith.constant 128 : i32
        %add3A_56 = arith.addi %mul3A_51, %add3A_55 : i32
        %add3A_57 = arith.constant 0 : i32
        %add3A_58 = arith.addi %add3A_56, %add3A_57 : i32
        %get3A_59 = arith.index_cast %add3A_58 : i32 to index
        %get3A_60 = tpu.vector_load %arg4[%get3A_59] {strides = array<i32>} : memref<16384xf32, #tpu.memory_space<vmem>>, vector<16xf32>,
        %add3A_61 = arith.constant 0 : i32
        %add3A_62 = arith.addi %mul3A_51, %add3A_61 : i32
        %add3A_63 = vector.broadcast %add3A_62 : i32 to vector<16xi32>
        %add3A_64 = arith.addi %add3A_63, %shift_left3A_4 : vector<16xi32>
        %add3A_65 = arith.addi %add3A_64, %shift_left3A_9 : vector<16xi32>
        tpu.vector_store_idx %arg5[%add3A_65], %get3A_54 : memref<16384xf32, #tpu.memory_space<vmem>>[vector<16xi32>], vector<16xf32>,
        %add3A_66 = arith.constant 1 : i32
        %add3A_67 = vector.broadcast %add3A_66 : i32 to vector<16xi32>
        %add3A_68 = arith.addi %add3A_65, %add3A_67 : vector<16xi32>
        tpu.vector_store_idx %arg5[%add3A_68], %get3A_60 : memref<16384xf32, #tpu.memory_space<vmem>>[vector<16xi32>], vector<16xf32>,
        %add3A_69 = arith.constant 16 : i32
        %add3A_70 = arith.addi %mul3A_51, %add3A_69 : i32
        %get3A_71 = arith.index_cast %add3A_70 : i32 to index
        %get3A_72 = tpu.vector_load %arg4[%get3A_71] {strides = array<i32>} : memref<16384xf32, #tpu.memory_space<vmem>>, vector<16xf32>,
        %add3A_73 = arith.constant 128 : i32
        %add3A_74 = arith.addi %mul3A_51, %add3A_73 : i32
        %add3A_75 = arith.constant 16 : i32
        %add3A_76 = arith.addi %add3A_74, %add3A_75 : i32
        %get3A_77 = arith.index_cast %add3A_76 : i32 to index
        %get3A_78 = tpu.vector_load %arg4[%get3A_77] {strides = array<i32>} : memref<16384xf32, #tpu.memory_space<vmem>>, vector<16xf32>,
        %add3A_79 = arith.constant 32 : i32
        %add3A_80 = arith.addi %mul3A_51, %add3A_79 : i32
        %add3A_81 = vector.broadcast %add3A_80 : i32 to vector<16xi32>
        %add3A_82 = arith.addi %add3A_81, %shift_left3A_4 : vector<16xi32>
        %add3A_83 = arith.addi %add3A_82, %shift_left3A_9 : vector<16xi32>
        tpu.vector_store_idx %arg5[%add3A_83], %get3A_72 : memref<16384xf32, #tpu.memory_space<vmem>>[vector<16xi32>], vector<16xf32>,
        %add3A_84 = arith.constant 1 : i32
        %add3A_85 = vector.broadcast %add3A_84 : i32 to vector<16xi32>
        %add3A_86 = arith.addi %add3A_83, %add3A_85 : vector<16xi32>
        tpu.vector_store_idx %arg5[%add3A_86], %get3A_78 : memref<16384xf32, #tpu.memory_space<vmem>>[vector<16xi32>], vector<16xf32>,
        %add3A_87 = arith.constant 32 : i32
        %add3A_88 = arith.addi %mul3A_51, %add3A_87 : i32
        %get3A_89 = arith.index_cast %add3A_88 : i32 to index
        %get3A_90 = tpu.vector_load %arg4[%get3A_89] {strides = array<i32>} : memref<16384xf32, #tpu.memory_space<vmem>>, vector<16xf32>,
        %add3A_91 = arith.constant 128 : i32
        %add3A_92 = arith.addi %mul3A_51, %add3A_91 : i32
        %add3A_93 = arith.constant 32 : i32
        %add3A_94 = arith.addi %add3A_92, %add3A_93 : i32
        %get3A_95 = arith.index_cast %add3A_94 : i32 to index
        %get3A_96 = tpu.vector_load %arg4[%get3A_95] {strides = array<i32>} : memref<16384xf32, #tpu.memory_space<vmem>>, vector<16xf32>,
        %add3A_97 = arith.constant 64 : i32
        %add3A_98 = arith.addi %mul3A_51, %add3A_97 : i32
        %add3A_99 = vector.broadcast %add3A_98 : i32 to vector<16xi32>
        %add3A_100 = arith.addi %add3A_99, %shift_left3A_4 : vector<16xi32>
        %add3A_101 = arith.addi %add3A_100, %shift_left3A_9 : vector<16xi32>
        tpu.vector_store_idx %arg5[%add3A_101], %get3A_90 : memref<16384xf32, #tpu.memory_space<vmem>>[vector<16xi32>], vector<16xf32>,
        %add3A_102 = arith.constant 1 : i32
        %add3A_103 = vector.broadcast %add3A_102 : i32 to vector<16xi32>
        %add3A_104 = arith.addi %add3A_101, %add3A_103 : vector<16xi32>
        tpu.vector_store_idx %arg5[%add3A_104], %get3A_96 : memref<16384xf32, #tpu.memory_space<vmem>>[vector<16xi32>], vector<16xf32>,
        %add3A_105 = arith.constant 48 : i32
        %add3A_106 = arith.addi %mul3A_51, %add3A_105 : i32
        %get3A_107 = arith.index_cast %add3A_106 : i32 to index
        %get3A_108 = tpu.vector_load %arg4[%get3A_107] {strides = array<i32>} : memref<16384xf32, #tpu.memory_space<vmem>>, vector<16xf32>,
        %add3A_109 = arith.constant 128 : i32
        %add3A_110 = arith.addi %mul3A_51, %add3A_109 : i32
        %add3A_111 = arith.constant 48 : i32
        %add3A_112 = arith.addi %add3A_110, %add3A_111 : i32
        %get3A_113 = arith.index_cast %add3A_112 : i32 to index
        %get3A_114 = tpu.vector_load %arg4[%get3A_113] {strides = array<i32>} : memref<16384xf32, #tpu.memory_space<vmem>>, vector<16xf32>,
        %add3A_115 = arith.constant 96 : i32
        %add3A_116 = arith.addi %mul3A_51, %add3A_115 : i32
        %add3A_117 = vector.broadcast %add3A_116 : i32 to vector<16xi32>
        %add3A_118 = arith.addi %add3A_117, %shift_left3A_4 : vector<16xi32>
        %add3A_119 = arith.addi %add3A_118, %shift_left3A_9 : vector<16xi32>
        tpu.vector_store_idx %arg5[%add3A_119], %get3A_108 : memref<16384xf32, #tpu.memory_space<vmem>>[vector<16xi32>], vector<16xf32>,
        %add3A_120 = arith.constant 1 : i32
        %add3A_121 = vector.broadcast %add3A_120 : i32 to vector<16xi32>
        %add3A_122 = arith.addi %add3A_119, %add3A_121 : vector<16xi32>
        tpu.vector_store_idx %arg5[%add3A_122], %get3A_114 : memref<16384xf32, #tpu.memory_space<vmem>>[vector<16xi32>], vector<16xf32>,
        %add3A_123 = arith.constant 64 : i32
        %add3A_124 = arith.addi %mul3A_51, %add3A_123 : i32
        %get3A_125 = arith.index_cast %add3A_124 : i32 to index
        %get3A_126 = tpu.vector_load %arg4[%get3A_125] {strides = array<i32>} : memref<16384xf32, #tpu.memory_space<vmem>>, vector<16xf32>,
        %add3A_127 = arith.constant 128 : i32
        %add3A_128 = arith.addi %mul3A_51, %add3A_127 : i32
        %add3A_129 = arith.constant 64 : i32
        %add3A_130 = arith.addi %add3A_128, %add3A_129 : i32
        %get3A_131 = arith.index_cast %add3A_130 : i32 to index
        %get3A_132 = tpu.vector_load %arg4[%get3A_131] {strides = array<i32>} : memref<16384xf32, #tpu.memory_space<vmem>>, vector<16xf32>,
        %add3A_133 = arith.constant 128 : i32
        %add3A_134 = arith.addi %mul3A_51, %add3A_133 : i32
        %add3A_135 = vector.broadcast %add3A_134 : i32 to vector<16xi32>
        %add3A_136 = arith.addi %add3A_135, %shift_left3A_4 : vector<16xi32>
        %add3A_137 = arith.addi %add3A_136, %shift_left3A_9 : vector<16xi32>
        tpu.vector_store_idx %arg5[%add3A_137], %get3A_126 : memref<16384xf32, #tpu.memory_space<vmem>>[vector<16xi32>], vector<16xf32>,
        %add3A_138 = arith.constant 1 : i32
        %add3A_139 = vector.broadcast %add3A_138 : i32 to vector<16xi32>
        %add3A_140 = arith.addi %add3A_137, %add3A_139 : vector<16xi32>
        tpu.vector_store_idx %arg5[%add3A_140], %get3A_132 : memref<16384xf32, #tpu.memory_space<vmem>>[vector<16xi32>], vector<16xf32>,
        %add3A_141 = arith.constant 80 : i32
        %add3A_142 = arith.addi %mul3A_51, %add3A_141 : i32
        %get3A_143 = arith.index_cast %add3A_142 : i32 to index
        %get3A_144 = tpu.vector_load %arg4[%get3A_143] {strides = array<i32>} : memref<16384xf32, #tpu.memory_space<vmem>>, vector<16xf32>,
        %add3A_145 = arith.constant 128 : i32
        %add3A_146 = arith.addi %mul3A_51, %add3A_145 : i32
        %add3A_147 = arith.constant 80 : i32
        %add3A_148 = arith.addi %add3A_146, %add3A_147 : i32
        %get3A_149 = arith.index_cast %add3A_148 : i32 to index
        %get3A_150 = tpu.vector_load %arg4[%get3A_149] {strides = array<i32>} : memref<16384xf32, #tpu.memory_space<vmem>>, vector<16xf32>,
        %add3A_151 = arith.constant 160 : i32
        %add3A_152 = arith.addi %mul3A_51, %add3A_151 : i32
        %add3A_153 = vector.broadcast %add3A_152 : i32 to vector<16xi32>
        %add3A_154 = arith.addi %add3A_153, %shift_left3A_4 : vector<16xi32>
        %add3A_155 = arith.addi %add3A_154, %shift_left3A_9 : vector<16xi32>
        tpu.vector_store_idx %arg5[%add3A_155], %get3A_144 : memref<16384xf32, #tpu.memory_space<vmem>>[vector<16xi32>], vector<16xf32>,
        %add3A_156 = arith.constant 1 : i32
        %add3A_157 = vector.broadcast %add3A_156 : i32 to vector<16xi32>
        %add3A_158 = arith.addi %add3A_155, %add3A_157 : vector<16xi32>
        tpu.vector_store_idx %arg5[%add3A_158], %get3A_150 : memref<16384xf32, #tpu.memory_space<vmem>>[vector<16xi32>], vector<16xf32>,
        %add3A_159 = arith.constant 96 : i32
        %add3A_160 = arith.addi %mul3A_51, %add3A_159 : i32
        %get3A_161 = arith.index_cast %add3A_160 : i32 to index
        %get3A_162 = tpu.vector_load %arg4[%get3A_161] {strides = array<i32>} : memref<16384xf32, #tpu.memory_space<vmem>>, vector<16xf32>,
        %add3A_163 = arith.constant 128 : i32
        %add3A_164 = arith.addi %mul3A_51, %add3A_163 : i32
        %add3A_165 = arith.constant 96 : i32
        %add3A_166 = arith.addi %add3A_164, %add3A_165 : i32
        %get3A_167 = arith.index_cast %add3A_166 : i32 to index
        %get3A_168 = tpu.vector_load %arg4[%get3A_167] {strides = array<i32>} : memref<16384xf32, #tpu.memory_space<vmem>>, vector<16xf32>,
        %add3A_169 = arith.constant 192 : i32
        %add3A_170 = arith.addi %mul3A_51, %add3A_169 : i32
        %add3A_171 = vector.broadcast %add3A_170 : i32 to vector<16xi32>
        %add3A_172 = arith.addi %add3A_171, %shift_left3A_4 : vector<16xi32>
        %add3A_173 = arith.addi %add3A_172, %shift_left3A_9 : vector<16xi32>
        tpu.vector_store_idx %arg5[%add3A_173], %get3A_162 : memref<16384xf32, #tpu.memory_space<vmem>>[vector<16xi32>], vector<16xf32>,
        %add3A_174 = arith.constant 1 : i32
        %add3A_175 = vector.broadcast %add3A_174 : i32 to vector<16xi32>
        %add3A_176 = arith.addi %add3A_173, %add3A_175 : vector<16xi32>
        tpu.vector_store_idx %arg5[%add3A_176], %get3A_168 : memref<16384xf32, #tpu.memory_space<vmem>>[vector<16xi32>], vector<16xf32>,
        %add3A_177 = arith.constant 112 : i32
        %add3A_178 = arith.addi %mul3A_51, %add3A_177 : i32
        %get3A_179 = arith.index_cast %add3A_178 : i32 to index
        %get3A_180 = tpu.vector_load %arg4[%get3A_179] {strides = array<i32>} : memref<16384xf32, #tpu.memory_space<vmem>>, vector<16xf32>,
        %add3A_181 = arith.constant 128 : i32
        %add3A_182 = arith.addi %mul3A_51, %add3A_181 : i32
        %add3A_183 = arith.constant 112 : i32
        %add3A_184 = arith.addi %add3A_182, %add3A_183 : i32
        %get3A_185 = arith.index_cast %add3A_184 : i32 to index
        %get3A_186 = tpu.vector_load %arg4[%get3A_185] {strides = array<i32>} : memref<16384xf32, #tpu.memory_space<vmem>>, vector<16xf32>,
        %add3A_187 = arith.constant 224 : i32
        %add3A_188 = arith.addi %mul3A_51, %add3A_187 : i32
        %add3A_189 = vector.broadcast %add3A_188 : i32 to vector<16xi32>
        %add3A_190 = arith.addi %add3A_189, %shift_left3A_4 : vector<16xi32>
        %add3A_191 = arith.addi %add3A_190, %shift_left3A_9 : vector<16xi32>
        tpu.vector_store_idx %arg5[%add3A_191], %get3A_180 : memref<16384xf32, #tpu.memory_space<vmem>>[vector<16xi32>], vector<16xf32>,
        %add3A_192 = arith.constant 1 : i32
        %add3A_193 = vector.broadcast %add3A_192 : i32 to vector<16xi32>
        %add3A_194 = arith.addi %add3A_191, %add3A_193 : vector<16xi32>
        tpu.vector_store_idx %arg5[%add3A_194], %get3A_186 : memref<16384xf32, #tpu.memory_space<vmem>>[vector<16xi32>], vector<16xf32>,
        %while3A_195 = arith.constant 0 : i64
        scf.yield %while3A_195 : i64
      }
      "tpu.region"() ({
        %run_scoped3A = tpu.sem_alloc : memref<!tpu.dma_semaphore, #tpu.memory_space<semaphore_mem>>
        %dma_start3A = tpu.memref_slice %arg3[%mul3A_34] : memref<8388608xf32, #tpu.memory_space<hbm>> -> memref<16384xf32, #tpu.memory_space<hbm>>
        %dma_start3A_48 = tpu.memref_slice %arg3[%mul3A_34] : memref<8388608xf32, #tpu.memory_space<hbm>> -> memref<16384xf32, #tpu.memory_space<hbm>>
        tpu.enqueue_dma source(%arg5 : memref<16384xf32, #tpu.memory_space<vmem>>) target(%dma_start3A_48 : memref<16384xf32, #tpu.memory_space<hbm>>) target_semaphore(%run_scoped3A : memref<!tpu.dma_semaphore, #tpu.memory_space<semaphore_mem>>)
        %dma_wait3A = tpu.memref_slice %arg3[%mul3A_34] : memref<8388608xf32, #tpu.memory_space<hbm>> -> memref<16384xf32, #tpu.memory_space<hbm>>
        %dma_wait3A_49 = tpu.memref_slice %arg3[%mul3A_34] : memref<8388608xf32, #tpu.memory_space<hbm>> -> memref<16384xf32, #tpu.memory_space<hbm>>
        tpu.wait_dma2 semaphore(%run_scoped3A : memref<!tpu.dma_semaphore, #tpu.memory_space<semaphore_mem>>) src(%arg5 : memref<16384xf32, #tpu.memory_space<vmem>>) dst(%dma_wait3A_49 : memref<16384xf32, #tpu.memory_space<hbm>>)
        tpu.yield
      }) : () -> ()
    }
    %while3A_19 = arith.constant 1 : i32
    scf.for %while3A_20 = %while3A_17 to %while3A_13 step %while3A_19  : i32 {
      %mul3A_21 = arith.constant 4096 : i32
      %mul3A_22 = arith.muli %while3A_20, %mul3A_21 : i32
      %mul3A_23 = arith.constant 128 : i32
      %mul3A_24 = arith.muli %add3A, %mul3A_23 : i32
      %add3A_25 = arith.addi %mul3A_22, %mul3A_24 : i32
      %mul3A_26 = arith.constant 128 : i32
      %mul3A_27 = arith.muli %add3A_25, %mul3A_26 : i32
      %mul3A_28 = arith.constant 32768 : i32
      %mul3A_29 = arith.muli %while3A_20, %mul3A_28 : i32
      %mul3A_30 = arith.constant 1024 : i32
      %mul3A_31 = arith.muli %add3A, %mul3A_30 : i32
      %add3A_32 = arith.addi %mul3A_29, %mul3A_31 : i32
      %mul3A_33 = arith.constant 16 : i32
      %mul3A_34 = arith.muli %add3A_32, %mul3A_33 : i32
      "tpu.region"() ({
        %run_scoped3A = tpu.sem_alloc : memref<!tpu.dma_semaphore, #tpu.memory_space<semaphore_mem>>
        %dma_start3A = tpu.memref_slice %arg2[%mul3A_27] : memref<8388608xf32, #tpu.memory_space<hbm>> -> memref<16384xf32, #tpu.memory_space<hbm>>
        %dma_start3A_48 = tpu.memref_slice %arg2[%mul3A_27] : memref<8388608xf32, #tpu.memory_space<hbm>> -> memref<16384xf32, #tpu.memory_space<hbm>>
        tpu.enqueue_dma source(%dma_start3A_48 : memref<16384xf32, #tpu.memory_space<hbm>>) target(%arg4 : memref<16384xf32, #tpu.memory_space<vmem>>) target_semaphore(%run_scoped3A : memref<!tpu.dma_semaphore, #tpu.memory_space<semaphore_mem>>)
        %dma_wait3A = tpu.memref_slice %arg2[%mul3A_27] : memref<8388608xf32, #tpu.memory_space<hbm>> -> memref<16384xf32, #tpu.memory_space<hbm>>
        %dma_wait3A_49 = tpu.memref_slice %arg2[%mul3A_27] : memref<8388608xf32, #tpu.memory_space<hbm>> -> memref<16384xf32, #tpu.memory_space<hbm>>
        tpu.wait_dma2 semaphore(%run_scoped3A : memref<!tpu.dma_semaphore, #tpu.memory_space<semaphore_mem>>) src(%dma_wait3A_49 : memref<16384xf32, #tpu.memory_space<hbm>>) dst(%arg4 : memref<16384xf32, #tpu.memory_space<vmem>>)
        tpu.yield
      }) : () -> ()
      %while3A_35 = arith.constant 0 : i32
      %while3A_36 = arith.constant 64 : i32
      %while3A_37 = arith.constant 0 : i64
      %while3A_38 = arith.subi %while3A_36, %while3A_35 : i32
      %while3A_39 = arith.addi %while3A_35, %while3A_38 : i32
      %while3A_40 = arith.constant 1 : i32
      %while3A_41 = arith.divsi %while3A_38, %while3A_40 : i32
      %while3A_42 = arith.muli %while3A_41, %while3A_40 : i32
      %while3A_43 = arith.addi %while3A_35, %while3A_42 : i32
      %while3A_44 = arith.constant 1 : i32
      %while3A_45 = scf.for %while3A_48 = %while3A_35 to %while3A_43 step %while3A_44 iter_args(%while3A_49 = %while3A_37) -> (i64)  : i32 {
        %mul3A_50 = arith.constant 256 : i32
        %mul3A_51 = arith.muli %while3A_48, %mul3A_50 : i32
        %add3A_52 = arith.constant 0 : i32
        %add3A_53 = arith.addi %mul3A_51, %add3A_52 : i32
        %get3A = arith.index_cast %add3A_53 : i32 to index
        %get3A_54 = tpu.vector_load %arg4[%get3A] {strides = array<i32>} : memref<16384xf32, #tpu.memory_space<vmem>>, vector<16xf32>,
        %add3A_55 = arith.constant 128 : i32
        %add3A_56 = arith.addi %mul3A_51, %add3A_55 : i32
        %add3A_57 = arith.constant 0 : i32
        %add3A_58 = arith.addi %add3A_56, %add3A_57 : i32
        %get3A_59 = arith.index_cast %add3A_58 : i32 to index
        %get3A_60 = tpu.vector_load %arg4[%get3A_59] {strides = array<i32>} : memref<16384xf32, #tpu.memory_space<vmem>>, vector<16xf32>,
        %add3A_61 = arith.constant 0 : i32
        %add3A_62 = arith.addi %mul3A_51, %add3A_61 : i32
        %add3A_63 = vector.broadcast %add3A_62 : i32 to vector<16xi32>
        %add3A_64 = arith.addi %add3A_63, %shift_left3A_4 : vector<16xi32>
        %add3A_65 = arith.addi %add3A_64, %shift_left3A_9 : vector<16xi32>
        tpu.vector_store_idx %arg5[%add3A_65], %get3A_54 : memref<16384xf32, #tpu.memory_space<vmem>>[vector<16xi32>], vector<16xf32>,
        %add3A_66 = arith.constant 1 : i32
        %add3A_67 = vector.broadcast %add3A_66 : i32 to vector<16xi32>
        %add3A_68 = arith.addi %add3A_65, %add3A_67 : vector<16xi32>
        tpu.vector_store_idx %arg5[%add3A_68], %get3A_60 : memref<16384xf32, #tpu.memory_space<vmem>>[vector<16xi32>], vector<16xf32>,
        %add3A_69 = arith.constant 16 : i32
        %add3A_70 = arith.addi %mul3A_51, %add3A_69 : i32
        %get3A_71 = arith.index_cast %add3A_70 : i32 to index
        %get3A_72 = tpu.vector_load %arg4[%get3A_71] {strides = array<i32>} : memref<16384xf32, #tpu.memory_space<vmem>>, vector<16xf32>,
        %add3A_73 = arith.constant 128 : i32
        %add3A_74 = arith.addi %mul3A_51, %add3A_73 : i32
        %add3A_75 = arith.constant 16 : i32
        %add3A_76 = arith.addi %add3A_74, %add3A_75 : i32
        %get3A_77 = arith.index_cast %add3A_76 : i32 to index
        %get3A_78 = tpu.vector_load %arg4[%get3A_77] {strides = array<i32>} : memref<16384xf32, #tpu.memory_space<vmem>>, vector<16xf32>,
        %add3A_79 = arith.constant 32 : i32
        %add3A_80 = arith.addi %mul3A_51, %add3A_79 : i32
        %add3A_81 = vector.broadcast %add3A_80 : i32 to vector<16xi32>
        %add3A_82 = arith.addi %add3A_81, %shift_left3A_4 : vector<16xi32>
        %add3A_83 = arith.addi %add3A_82, %shift_left3A_9 : vector<16xi32>
        tpu.vector_store_idx %arg5[%add3A_83], %get3A_72 : memref<16384xf32, #tpu.memory_space<vmem>>[vector<16xi32>], vector<16xf32>,
        %add3A_84 = arith.constant 1 : i32
        %add3A_85 = vector.broadcast %add3A_84 : i32 to vector<16xi32>
        %add3A_86 = arith.addi %add3A_83, %add3A_85 : vector<16xi32>
        tpu.vector_store_idx %arg5[%add3A_86], %get3A_78 : memref<16384xf32, #tpu.memory_space<vmem>>[vector<16xi32>], vector<16xf32>,
        %add3A_87 = arith.constant 32 : i32
        %add3A_88 = arith.addi %mul3A_51, %add3A_87 : i32
        %get3A_89 = arith.index_cast %add3A_88 : i32 to index
        %get3A_90 = tpu.vector_load %arg4[%get3A_89] {strides = array<i32>} : memref<16384xf32, #tpu.memory_space<vmem>>, vector<16xf32>,
        %add3A_91 = arith.constant 128 : i32
        %add3A_92 = arith.addi %mul3A_51, %add3A_91 : i32
        %add3A_93 = arith.constant 32 : i32
        %add3A_94 = arith.addi %add3A_92, %add3A_93 : i32
        %get3A_95 = arith.index_cast %add3A_94 : i32 to index
        %get3A_96 = tpu.vector_load %arg4[%get3A_95] {strides = array<i32>} : memref<16384xf32, #tpu.memory_space<vmem>>, vector<16xf32>,
        %add3A_97 = arith.constant 64 : i32
        %add3A_98 = arith.addi %mul3A_51, %add3A_97 : i32
        %add3A_99 = vector.broadcast %add3A_98 : i32 to vector<16xi32>
        %add3A_100 = arith.addi %add3A_99, %shift_left3A_4 : vector<16xi32>
        %add3A_101 = arith.addi %add3A_100, %shift_left3A_9 : vector<16xi32>
        tpu.vector_store_idx %arg5[%add3A_101], %get3A_90 : memref<16384xf32, #tpu.memory_space<vmem>>[vector<16xi32>], vector<16xf32>,
        %add3A_102 = arith.constant 1 : i32
        %add3A_103 = vector.broadcast %add3A_102 : i32 to vector<16xi32>
        %add3A_104 = arith.addi %add3A_101, %add3A_103 : vector<16xi32>
        tpu.vector_store_idx %arg5[%add3A_104], %get3A_96 : memref<16384xf32, #tpu.memory_space<vmem>>[vector<16xi32>], vector<16xf32>,
        %add3A_105 = arith.constant 48 : i32
        %add3A_106 = arith.addi %mul3A_51, %add3A_105 : i32
        %get3A_107 = arith.index_cast %add3A_106 : i32 to index
        %get3A_108 = tpu.vector_load %arg4[%get3A_107] {strides = array<i32>} : memref<16384xf32, #tpu.memory_space<vmem>>, vector<16xf32>,
        %add3A_109 = arith.constant 128 : i32
        %add3A_110 = arith.addi %mul3A_51, %add3A_109 : i32
        %add3A_111 = arith.constant 48 : i32
        %add3A_112 = arith.addi %add3A_110, %add3A_111 : i32
        %get3A_113 = arith.index_cast %add3A_112 : i32 to index
        %get3A_114 = tpu.vector_load %arg4[%get3A_113] {strides = array<i32>} : memref<16384xf32, #tpu.memory_space<vmem>>, vector<16xf32>,
        %add3A_115 = arith.constant 96 : i32
        %add3A_116 = arith.addi %mul3A_51, %add3A_115 : i32
        %add3A_117 = vector.broadcast %add3A_116 : i32 to vector<16xi32>
        %add3A_118 = arith.addi %add3A_117, %shift_left3A_4 : vector<16xi32>
        %add3A_119 = arith.addi %add3A_118, %shift_left3A_9 : vector<16xi32>
        tpu.vector_store_idx %arg5[%add3A_119], %get3A_108 : memref<16384xf32, #tpu.memory_space<vmem>>[vector<16xi32>], vector<16xf32>,
        %add3A_120 = arith.constant 1 : i32
        %add3A_121 = vector.broadcast %add3A_120 : i32 to vector<16xi32>
        %add3A_122 = arith.addi %add3A_119, %add3A_121 : vector<16xi32>
        tpu.vector_store_idx %arg5[%add3A_122], %get3A_114 : memref<16384xf32, #tpu.memory_space<vmem>>[vector<16xi32>], vector<16xf32>,
        %add3A_123 = arith.constant 64 : i32
        %add3A_124 = arith.addi %mul3A_51, %add3A_123 : i32
        %get3A_125 = arith.index_cast %add3A_124 : i32 to index
        %get3A_126 = tpu.vector_load %arg4[%get3A_125] {strides = array<i32>} : memref<16384xf32, #tpu.memory_space<vmem>>, vector<16xf32>,
        %add3A_127 = arith.constant 128 : i32
        %add3A_128 = arith.addi %mul3A_51, %add3A_127 : i32
        %add3A_129 = arith.constant 64 : i32
        %add3A_130 = arith.addi %add3A_128, %add3A_129 : i32
        %get3A_131 = arith.index_cast %add3A_130 : i32 to index
        %get3A_132 = tpu.vector_load %arg4[%get3A_131] {strides = array<i32>} : memref<16384xf32, #tpu.memory_space<vmem>>, vector<16xf32>,
        %add3A_133 = arith.constant 128 : i32
        %add3A_134 = arith.addi %mul3A_51, %add3A_133 : i32
        %add3A_135 = vector.broadcast %add3A_134 : i32 to vector<16xi32>
        %add3A_136 = arith.addi %add3A_135, %shift_left3A_4 : vector<16xi32>
        %add3A_137 = arith.addi %add3A_136, %shift_left3A_9 : vector<16xi32>
        tpu.vector_store_idx %arg5[%add3A_137], %get3A_126 : memref<16384xf32, #tpu.memory_space<vmem>>[vector<16xi32>], vector<16xf32>,
        %add3A_138 = arith.constant 1 : i32
        %add3A_139 = vector.broadcast %add3A_138 : i32 to vector<16xi32>
        %add3A_140 = arith.addi %add3A_137, %add3A_139 : vector<16xi32>
        tpu.vector_store_idx %arg5[%add3A_140], %get3A_132 : memref<16384xf32, #tpu.memory_space<vmem>>[vector<16xi32>], vector<16xf32>,
        %add3A_141 = arith.constant 80 : i32
        %add3A_142 = arith.addi %mul3A_51, %add3A_141 : i32
        %get3A_143 = arith.index_cast %add3A_142 : i32 to index
        %get3A_144 = tpu.vector_load %arg4[%get3A_143] {strides = array<i32>} : memref<16384xf32, #tpu.memory_space<vmem>>, vector<16xf32>,
        %add3A_145 = arith.constant 128 : i32
        %add3A_146 = arith.addi %mul3A_51, %add3A_145 : i32
        %add3A_147 = arith.constant 80 : i32
        %add3A_148 = arith.addi %add3A_146, %add3A_147 : i32
        %get3A_149 = arith.index_cast %add3A_148 : i32 to index
        %get3A_150 = tpu.vector_load %arg4[%get3A_149] {strides = array<i32>} : memref<16384xf32, #tpu.memory_space<vmem>>, vector<16xf32>,
        %add3A_151 = arith.constant 160 : i32
        %add3A_152 = arith.addi %mul3A_51, %add3A_151 : i32
        %add3A_153 = vector.broadcast %add3A_152 : i32 to vector<16xi32>
        %add3A_154 = arith.addi %add3A_153, %shift_left3A_4 : vector<16xi32>
        %add3A_155 = arith.addi %add3A_154, %shift_left3A_9 : vector<16xi32>
        tpu.vector_store_idx %arg5[%add3A_155], %get3A_144 : memref<16384xf32, #tpu.memory_space<vmem>>[vector<16xi32>], vector<16xf32>,
        %add3A_156 = arith.constant 1 : i32
        %add3A_157 = vector.broadcast %add3A_156 : i32 to vector<16xi32>
        %add3A_158 = arith.addi %add3A_155, %add3A_157 : vector<16xi32>
        tpu.vector_store_idx %arg5[%add3A_158], %get3A_150 : memref<16384xf32, #tpu.memory_space<vmem>>[vector<16xi32>], vector<16xf32>,
        %add3A_159 = arith.constant 96 : i32
        %add3A_160 = arith.addi %mul3A_51, %add3A_159 : i32
        %get3A_161 = arith.index_cast %add3A_160 : i32 to index
        %get3A_162 = tpu.vector_load %arg4[%get3A_161] {strides = array<i32>} : memref<16384xf32, #tpu.memory_space<vmem>>, vector<16xf32>,
        %add3A_163 = arith.constant 128 : i32
        %add3A_164 = arith.addi %mul3A_51, %add3A_163 : i32
        %add3A_165 = arith.constant 96 : i32
        %add3A_166 = arith.addi %add3A_164, %add3A_165 : i32
        %get3A_167 = arith.index_cast %add3A_166 : i32 to index
        %get3A_168 = tpu.vector_load %arg4[%get3A_167] {strides = array<i32>} : memref<16384xf32, #tpu.memory_space<vmem>>, vector<16xf32>,
        %add3A_169 = arith.constant 192 : i32
        %add3A_170 = arith.addi %mul3A_51, %add3A_169 : i32
        %add3A_171 = vector.broadcast %add3A_170 : i32 to vector<16xi32>
        %add3A_172 = arith.addi %add3A_171, %shift_left3A_4 : vector<16xi32>
        %add3A_173 = arith.addi %add3A_172, %shift_left3A_9 : vector<16xi32>
        tpu.vector_store_idx %arg5[%add3A_173], %get3A_162 : memref<16384xf32, #tpu.memory_space<vmem>>[vector<16xi32>], vector<16xf32>,
        %add3A_174 = arith.constant 1 : i32
        %add3A_175 = vector.broadcast %add3A_174 : i32 to vector<16xi32>
        %add3A_176 = arith.addi %add3A_173, %add3A_175 : vector<16xi32>
        tpu.vector_store_idx %arg5[%add3A_176], %get3A_168 : memref<16384xf32, #tpu.memory_space<vmem>>[vector<16xi32>], vector<16xf32>,
        %add3A_177 = arith.constant 112 : i32
        %add3A_178 = arith.addi %mul3A_51, %add3A_177 : i32
        %get3A_179 = arith.index_cast %add3A_178 : i32 to index
        %get3A_180 = tpu.vector_load %arg4[%get3A_179] {strides = array<i32>} : memref<16384xf32, #tpu.memory_space<vmem>>, vector<16xf32>,
        %add3A_181 = arith.constant 128 : i32
        %add3A_182 = arith.addi %mul3A_51, %add3A_181 : i32
        %add3A_183 = arith.constant 112 : i32
        %add3A_184 = arith.addi %add3A_182, %add3A_183 : i32
        %get3A_185 = arith.index_cast %add3A_184 : i32 to index
        %get3A_186 = tpu.vector_load %arg4[%get3A_185] {strides = array<i32>} : memref<16384xf32, #tpu.memory_space<vmem>>, vector<16xf32>,
        %add3A_187 = arith.constant 224 : i32
        %add3A_188 = arith.addi %mul3A_51, %add3A_187 : i32
        %add3A_189 = vector.broadcast %add3A_188 : i32 to vector<16xi32>
        %add3A_190 = arith.addi %add3A_189, %shift_left3A_4 : vector<16xi32>
        %add3A_191 = arith.addi %add3A_190, %shift_left3A_9 : vector<16xi32>
        tpu.vector_store_idx %arg5[%add3A_191], %get3A_180 : memref<16384xf32, #tpu.memory_space<vmem>>[vector<16xi32>], vector<16xf32>,
        %add3A_192 = arith.constant 1 : i32
        %add3A_193 = vector.broadcast %add3A_192 : i32 to vector<16xi32>
        %add3A_194 = arith.addi %add3A_191, %add3A_193 : vector<16xi32>
        tpu.vector_store_idx %arg5[%add3A_194], %get3A_186 : memref<16384xf32, #tpu.memory_space<vmem>>[vector<16xi32>], vector<16xf32>,
        %while3A_195 = arith.constant 0 : i64
        scf.yield %while3A_195 : i64
      }
      %while3A_46 = arith.constant 1 : i32
      %while3A_47 = scf.for %while3A_48 = %while3A_43 to %while3A_39 step %while3A_46 iter_args(%while3A_49 = %while3A_45) -> (i64)  : i32 {
        %mul3A_50 = arith.constant 256 : i32
        %mul3A_51 = arith.muli %while3A_48, %mul3A_50 : i32
        %add3A_52 = arith.constant 0 : i32
        %add3A_53 = arith.addi %mul3A_51, %add3A_52 : i32
        %get3A = arith.index_cast %add3A_53 : i32 to index
        %get3A_54 = tpu.vector_load %arg4[%get3A] {strides = array<i32>} : memref<16384xf32, #tpu.memory_space<vmem>>, vector<16xf32>,
        %add3A_55 = arith.constant 128 : i32
        %add3A_56 = arith.addi %mul3A_51, %add3A_55 : i32
        %add3A_57 = arith.constant 0 : i32
        %add3A_58 = arith.addi %add3A_56, %add3A_57 : i32
        %get3A_59 = arith.index_cast %add3A_58 : i32 to index
        %get3A_60 = tpu.vector_load %arg4[%get3A_59] {strides = array<i32>} : memref<16384xf32, #tpu.memory_space<vmem>>, vector<16xf32>,
        %add3A_61 = arith.constant 0 : i32
        %add3A_62 = arith.addi %mul3A_51, %add3A_61 : i32
        %add3A_63 = vector.broadcast %add3A_62 : i32 to vector<16xi32>
        %add3A_64 = arith.addi %add3A_63, %shift_left3A_4 : vector<16xi32>
        %add3A_65 = arith.addi %add3A_64, %shift_left3A_9 : vector<16xi32>
        tpu.vector_store_idx %arg5[%add3A_65], %get3A_54 : memref<16384xf32, #tpu.memory_space<vmem>>[vector<16xi32>], vector<16xf32>,
        %add3A_66 = arith.constant 1 : i32
        %add3A_67 = vector.broadcast %add3A_66 : i32 to vector<16xi32>
        %add3A_68 = arith.addi %add3A_65, %add3A_67 : vector<16xi32>
        tpu.vector_store_idx %arg5[%add3A_68], %get3A_60 : memref<16384xf32, #tpu.memory_space<vmem>>[vector<16xi32>], vector<16xf32>,
        %add3A_69 = arith.constant 16 : i32
        %add3A_70 = arith.addi %mul3A_51, %add3A_69 : i32
        %get3A_71 = arith.index_cast %add3A_70 : i32 to index
        %get3A_72 = tpu.vector_load %arg4[%get3A_71] {strides = array<i32>} : memref<16384xf32, #tpu.memory_space<vmem>>, vector<16xf32>,
        %add3A_73 = arith.constant 128 : i32
        %add3A_74 = arith.addi %mul3A_51, %add3A_73 : i32
        %add3A_75 = arith.constant 16 : i32
        %add3A_76 = arith.addi %add3A_74, %add3A_75 : i32
        %get3A_77 = arith.index_cast %add3A_76 : i32 to index
        %get3A_78 = tpu.vector_load %arg4[%get3A_77] {strides = array<i32>} : memref<16384xf32, #tpu.memory_space<vmem>>, vector<16xf32>,
        %add3A_79 = arith.constant 32 : i32
        %add3A_80 = arith.addi %mul3A_51, %add3A_79 : i32
        %add3A_81 = vector.broadcast %add3A_80 : i32 to vector<16xi32>
        %add3A_82 = arith.addi %add3A_81, %shift_left3A_4 : vector<16xi32>
        %add3A_83 = arith.addi %add3A_82, %shift_left3A_9 : vector<16xi32>
        tpu.vector_store_idx %arg5[%add3A_83], %get3A_72 : memref<16384xf32, #tpu.memory_space<vmem>>[vector<16xi32>], vector<16xf32>,
        %add3A_84 = arith.constant 1 : i32
        %add3A_85 = vector.broadcast %add3A_84 : i32 to vector<16xi32>
        %add3A_86 = arith.addi %add3A_83, %add3A_85 : vector<16xi32>
        tpu.vector_store_idx %arg5[%add3A_86], %get3A_78 : memref<16384xf32, #tpu.memory_space<vmem>>[vector<16xi32>], vector<16xf32>,
        %add3A_87 = arith.constant 32 : i32
        %add3A_88 = arith.addi %mul3A_51, %add3A_87 : i32
        %get3A_89 = arith.index_cast %add3A_88 : i32 to index
        %get3A_90 = tpu.vector_load %arg4[%get3A_89] {strides = array<i32>} : memref<16384xf32, #tpu.memory_space<vmem>>, vector<16xf32>,
        %add3A_91 = arith.constant 128 : i32
        %add3A_92 = arith.addi %mul3A_51, %add3A_91 : i32
        %add3A_93 = arith.constant 32 : i32
        %add3A_94 = arith.addi %add3A_92, %add3A_93 : i32
        %get3A_95 = arith.index_cast %add3A_94 : i32 to index
        %get3A_96 = tpu.vector_load %arg4[%get3A_95] {strides = array<i32>} : memref<16384xf32, #tpu.memory_space<vmem>>, vector<16xf32>,
        %add3A_97 = arith.constant 64 : i32
        %add3A_98 = arith.addi %mul3A_51, %add3A_97 : i32
        %add3A_99 = vector.broadcast %add3A_98 : i32 to vector<16xi32>
        %add3A_100 = arith.addi %add3A_99, %shift_left3A_4 : vector<16xi32>
        %add3A_101 = arith.addi %add3A_100, %shift_left3A_9 : vector<16xi32>
        tpu.vector_store_idx %arg5[%add3A_101], %get3A_90 : memref<16384xf32, #tpu.memory_space<vmem>>[vector<16xi32>], vector<16xf32>,
        %add3A_102 = arith.constant 1 : i32
        %add3A_103 = vector.broadcast %add3A_102 : i32 to vector<16xi32>
        %add3A_104 = arith.addi %add3A_101, %add3A_103 : vector<16xi32>
        tpu.vector_store_idx %arg5[%add3A_104], %get3A_96 : memref<16384xf32, #tpu.memory_space<vmem>>[vector<16xi32>], vector<16xf32>,
        %add3A_105 = arith.constant 48 : i32
        %add3A_106 = arith.addi %mul3A_51, %add3A_105 : i32
        %get3A_107 = arith.index_cast %add3A_106 : i32 to index
        %get3A_108 = tpu.vector_load %arg4[%get3A_107] {strides = array<i32>} : memref<16384xf32, #tpu.memory_space<vmem>>, vector<16xf32>,
        %add3A_109 = arith.constant 128 : i32
        %add3A_110 = arith.addi %mul3A_51, %add3A_109 : i32
        %add3A_111 = arith.constant 48 : i32
        %add3A_112 = arith.addi %add3A_110, %add3A_111 : i32
        %get3A_113 = arith.index_cast %add3A_112 : i32 to index
        %get3A_114 = tpu.vector_load %arg4[%get3A_113] {strides = array<i32>} : memref<16384xf32, #tpu.memory_space<vmem>>, vector<16xf32>,
        %add3A_115 = arith.constant 96 : i32
        %add3A_116 = arith.addi %mul3A_51, %add3A_115 : i32
        %add3A_117 = vector.broadcast %add3A_116 : i32 to vector<16xi32>
        %add3A_118 = arith.addi %add3A_117, %shift_left3A_4 : vector<16xi32>
        %add3A_119 = arith.addi %add3A_118, %shift_left3A_9 : vector<16xi32>
        tpu.vector_store_idx %arg5[%add3A_119], %get3A_108 : memref<16384xf32, #tpu.memory_space<vmem>>[vector<16xi32>], vector<16xf32>,
        %add3A_120 = arith.constant 1 : i32
        %add3A_121 = vector.broadcast %add3A_120 : i32 to vector<16xi32>
        %add3A_122 = arith.addi %add3A_119, %add3A_121 : vector<16xi32>
        tpu.vector_store_idx %arg5[%add3A_122], %get3A_114 : memref<16384xf32, #tpu.memory_space<vmem>>[vector<16xi32>], vector<16xf32>,
        %add3A_123 = arith.constant 64 : i32
        %add3A_124 = arith.addi %mul3A_51, %add3A_123 : i32
        %get3A_125 = arith.index_cast %add3A_124 : i32 to index
        %get3A_126 = tpu.vector_load %arg4[%get3A_125] {strides = array<i32>} : memref<16384xf32, #tpu.memory_space<vmem>>, vector<16xf32>,
        %add3A_127 = arith.constant 128 : i32
        %add3A_128 = arith.addi %mul3A_51, %add3A_127 : i32
        %add3A_129 = arith.constant 64 : i32
        %add3A_130 = arith.addi %add3A_128, %add3A_129 : i32
        %get3A_131 = arith.index_cast %add3A_130 : i32 to index
        %get3A_132 = tpu.vector_load %arg4[%get3A_131] {strides = array<i32>} : memref<16384xf32, #tpu.memory_space<vmem>>, vector<16xf32>,
        %add3A_133 = arith.constant 128 : i32
        %add3A_134 = arith.addi %mul3A_51, %add3A_133 : i32
        %add3A_135 = vector.broadcast %add3A_134 : i32 to vector<16xi32>
        %add3A_136 = arith.addi %add3A_135, %shift_left3A_4 : vector<16xi32>
        %add3A_137 = arith.addi %add3A_136, %shift_left3A_9 : vector<16xi32>
        tpu.vector_store_idx %arg5[%add3A_137], %get3A_126 : memref<16384xf32, #tpu.memory_space<vmem>>[vector<16xi32>], vector<16xf32>,
        %add3A_138 = arith.constant 1 : i32
        %add3A_139 = vector.broadcast %add3A_138 : i32 to vector<16xi32>
        %add3A_140 = arith.addi %add3A_137, %add3A_139 : vector<16xi32>
        tpu.vector_store_idx %arg5[%add3A_140], %get3A_132 : memref<16384xf32, #tpu.memory_space<vmem>>[vector<16xi32>], vector<16xf32>,
        %add3A_141 = arith.constant 80 : i32
        %add3A_142 = arith.addi %mul3A_51, %add3A_141 : i32
        %get3A_143 = arith.index_cast %add3A_142 : i32 to index
        %get3A_144 = tpu.vector_load %arg4[%get3A_143] {strides = array<i32>} : memref<16384xf32, #tpu.memory_space<vmem>>, vector<16xf32>,
        %add3A_145 = arith.constant 128 : i32
        %add3A_146 = arith.addi %mul3A_51, %add3A_145 : i32
        %add3A_147 = arith.constant 80 : i32
        %add3A_148 = arith.addi %add3A_146, %add3A_147 : i32
        %get3A_149 = arith.index_cast %add3A_148 : i32 to index
        %get3A_150 = tpu.vector_load %arg4[%get3A_149] {strides = array<i32>} : memref<16384xf32, #tpu.memory_space<vmem>>, vector<16xf32>,
        %add3A_151 = arith.constant 160 : i32
        %add3A_152 = arith.addi %mul3A_51, %add3A_151 : i32
        %add3A_153 = vector.broadcast %add3A_152 : i32 to vector<16xi32>
        %add3A_154 = arith.addi %add3A_153, %shift_left3A_4 : vector<16xi32>
        %add3A_155 = arith.addi %add3A_154, %shift_left3A_9 : vector<16xi32>
        tpu.vector_store_idx %arg5[%add3A_155], %get3A_144 : memref<16384xf32, #tpu.memory_space<vmem>>[vector<16xi32>], vector<16xf32>,
        %add3A_156 = arith.constant 1 : i32
        %add3A_157 = vector.broadcast %add3A_156 : i32 to vector<16xi32>
        %add3A_158 = arith.addi %add3A_155, %add3A_157 : vector<16xi32>
        tpu.vector_store_idx %arg5[%add3A_158], %get3A_150 : memref<16384xf32, #tpu.memory_space<vmem>>[vector<16xi32>], vector<16xf32>,
        %add3A_159 = arith.constant 96 : i32
        %add3A_160 = arith.addi %mul3A_51, %add3A_159 : i32
        %get3A_161 = arith.index_cast %add3A_160 : i32 to index
        %get3A_162 = tpu.vector_load %arg4[%get3A_161] {strides = array<i32>} : memref<16384xf32, #tpu.memory_space<vmem>>, vector<16xf32>,
        %add3A_163 = arith.constant 128 : i32
        %add3A_164 = arith.addi %mul3A_51, %add3A_163 : i32
        %add3A_165 = arith.constant 96 : i32
        %add3A_166 = arith.addi %add3A_164, %add3A_165 : i32
        %get3A_167 = arith.index_cast %add3A_166 : i32 to index
        %get3A_168 = tpu.vector_load %arg4[%get3A_167] {strides = array<i32>} : memref<16384xf32, #tpu.memory_space<vmem>>, vector<16xf32>,
        %add3A_169 = arith.constant 192 : i32
        %add3A_170 = arith.addi %mul3A_51, %add3A_169 : i32
        %add3A_171 = vector.broadcast %add3A_170 : i32 to vector<16xi32>
        %add3A_172 = arith.addi %add3A_171, %shift_left3A_4 : vector<16xi32>
        %add3A_173 = arith.addi %add3A_172, %shift_left3A_9 : vector<16xi32>
        tpu.vector_store_idx %arg5[%add3A_173], %get3A_162 : memref<16384xf32, #tpu.memory_space<vmem>>[vector<16xi32>], vector<16xf32>,
        %add3A_174 = arith.constant 1 : i32
        %add3A_175 = vector.broadcast %add3A_174 : i32 to vector<16xi32>
        %add3A_176 = arith.addi %add3A_173, %add3A_175 : vector<16xi32>
        tpu.vector_store_idx %arg5[%add3A_176], %get3A_168 : memref<16384xf32, #tpu.memory_space<vmem>>[vector<16xi32>], vector<16xf32>,
        %add3A_177 = arith.constant 112 : i32
        %add3A_178 = arith.addi %mul3A_51, %add3A_177 : i32
        %get3A_179 = arith.index_cast %add3A_178 : i32 to index
        %get3A_180 = tpu.vector_load %arg4[%get3A_179] {strides = array<i32>} : memref<16384xf32, #tpu.memory_space<vmem>>, vector<16xf32>,
        %add3A_181 = arith.constant 128 : i32
        %add3A_182 = arith.addi %mul3A_51, %add3A_181 : i32
        %add3A_183 = arith.constant 112 : i32
        %add3A_184 = arith.addi %add3A_182, %add3A_183 : i32
        %get3A_185 = arith.index_cast %add3A_184 : i32 to index
        %get3A_186 = tpu.vector_load %arg4[%get3A_185] {strides = array<i32>} : memref<16384xf32, #tpu.memory_space<vmem>>, vector<16xf32>,
        %add3A_187 = arith.constant 224 : i32
        %add3A_188 = arith.addi %mul3A_51, %add3A_187 : i32
        %add3A_189 = vector.broadcast %add3A_188 : i32 to vector<16xi32>
        %add3A_190 = arith.addi %add3A_189, %shift_left3A_4 : vector<16xi32>
        %add3A_191 = arith.addi %add3A_190, %shift_left3A_9 : vector<16xi32>
        tpu.vector_store_idx %arg5[%add3A_191], %get3A_180 : memref<16384xf32, #tpu.memory_space<vmem>>[vector<16xi32>], vector<16xf32>,
        %add3A_192 = arith.constant 1 : i32
        %add3A_193 = vector.broadcast %add3A_192 : i32 to vector<16xi32>
        %add3A_194 = arith.addi %add3A_191, %add3A_193 : vector<16xi32>
        tpu.vector_store_idx %arg5[%add3A_194], %get3A_186 : memref<16384xf32, #tpu.memory_space<vmem>>[vector<16xi32>], vector<16xf32>,
        %while3A_195 = arith.constant 0 : i64
        scf.yield %while3A_195 : i64
      }
      "tpu.region"() ({
        %run_scoped3A = tpu.sem_alloc : memref<!tpu.dma_semaphore, #tpu.memory_space<semaphore_mem>>
        %dma_start3A = tpu.memref_slice %arg3[%mul3A_34] : memref<8388608xf32, #tpu.memory_space<hbm>> -> memref<16384xf32, #tpu.memory_space<hbm>>
        %dma_start3A_48 = tpu.memref_slice %arg3[%mul3A_34] : memref<8388608xf32, #tpu.memory_space<hbm>> -> memref<16384xf32, #tpu.memory_space<hbm>>
        tpu.enqueue_dma source(%arg5 : memref<16384xf32, #tpu.memory_space<vmem>>) target(%dma_start3A_48 : memref<16384xf32, #tpu.memory_space<hbm>>) target_semaphore(%run_scoped3A : memref<!tpu.dma_semaphore, #tpu.memory_space<semaphore_mem>>)
        %dma_wait3A = tpu.memref_slice %arg3[%mul3A_34] : memref<8388608xf32, #tpu.memory_space<hbm>> -> memref<16384xf32, #tpu.memory_space<hbm>>
        %dma_wait3A_49 = tpu.memref_slice %arg3[%mul3A_34] : memref<8388608xf32, #tpu.memory_space<hbm>> -> memref<16384xf32, #tpu.memory_space<hbm>>
        tpu.wait_dma2 semaphore(%run_scoped3A : memref<!tpu.dma_semaphore, #tpu.memory_space<semaphore_mem>>) src(%arg5 : memref<16384xf32, #tpu.memory_space<vmem>>) dst(%dma_wait3A_49 : memref<16384xf32, #tpu.memory_space<hbm>>)
        tpu.yield
      }) : () -> ()
    }
    return
  }
}

</mosaic_0001>

<sc_bundles>
// kernel: _relayout.3.cloned.1.call-start
scs
__scs_entry_jumppad:
0x0: {  	(pc) =	sbr.rel $0x88, $3  }
0x1: {  	(tag) =	ssettag $0x0;
	lr =	simm.s32 $0x1  }
0x2: {  	[smem:$0x3FA0] =	sst lr;
	_ =	strace $0xD0000000  }
0x3: {  	_ = 	snop  }
0x4: {  	_ = 	snop  }
0x5: {  	_ = 	snop  }
0x6: {  	_ = 	snop  }
0x7: {  	_ = 	snop  }
__scs_overlays_trampoline_lowered:
0x8: {  	[smem:$0x3FAF] =	sst s0  }
0x9: {  	[smem:$0x3FB0] =	sst s1  }
0xa: {  	[smem:$0x3FB1] =	sst s2  }
0xb: {  	[smem:$0x3FB2] =	sst s3  }
0xc: {  	[smem:$0x3FB3] =	sst s4  }
0xd: {  	[smem:$0x3FB4] =	sst s5  }
0xe: {  	[smem:$0x3FB5] =	sst s6  }
0xf: {  	[smem:$0x3FB6] =	sst s7  }
0x10: {  	[smem:$0x3FB7] =	sst s8  }
0x11: {  	[smem:$0x3FB8] =	sst s9;
	s0 =	simm.s32 @!p0 $0x0  }
0x12: {  	s1 =	sld [smem:$0x3F9E];
	s0 =	simm.s32 @p0 $0x1  }
0x13: {  	[smem:$0x3FB9] =	sst s0;
	s0 =	simm.s32 @!p1 $0x0  }
0x14: {  	s2 =	sld [smem:$0x3F9D];
	s0 =	simm.s32 @p1 $0x1  }
0x15: {  	[smem:$0x3FBA] =	sst s0;
	s0 =	simm.s32 @!p2 $0x0  }
0x16: {  	s3 =	sld [smem:$0x3FDB];
	s0 =	simm.s32 @p2 $0x1  }
0x17: {  	s4 =	simm.s32 $0x1BF5;
	[smem:$0x3FBC] =	sst s0  }
0x18: {  	s0 =	sld [smem:$0x3F9F];
	_ =	swait.ge [sflag:s4], $0x0  }
0x19: {  	s7 =	sld [smem:$0x3FA0]  }
0x1a: {  	s8 =	sadd.s32 $0xFFFFE003, lr  }
0x1b: {  	s9 =	sadd.s32 $0xFFFFFEF7, lr;
	s5 =	simm.s32 $0xFFFFFFFF;
	p2 =	slt.u32 s8, $0xFFFFF086  }
0x1c: {  	p1 =	slt.u32 s9, $0xF7A;
	s5 =	simm.s32 @!p2 $0x0  }
0x1d: {  	s5 =	simm.s32 @p1 $0x1;
	p0 =	seq.s32 s7, s2  }
0x1e: {  	s7 =	smul.u32 @!p0 $0xF7A, s2;
	p2 =	seq.s32 @!p0 s5, $0x0  }
0x1f: {  	s9 =	smul.u32 $0xF7A, s1;
	s8 =	simm.s32 @!p0 $0x1BF5;
	p2 =	por !p2, p0  }
0x20: {  	[sflag:s8] =	ssyncset.s32 @!p0 $0xFFFFF086;
	s6 =	sadd.s32 @!p0 s3, s7;
	s7 =	simm.s32 @!p0 $0x108  }
0x21: {  	s3 =	sadd.s32 s3, s9;
	s6 =	sadd.s32 @!p0 $0x88, s6;
	s7 =	simm.s32 @p2 $0x1082  }
0x22: {  	[simem:s7], [sflag:s8] =	dma.local @!p0 [hbm:s6], $0xF7A  }
0x23: {  	s9 =	sor.u32 $0xD0000000, s2;
	s6 =	simm.s32 $0x108;
	_ =	swait.ge @!p0 [sflag:s8], $0x0  }
0x24: {  	s3 =	sadd.s32 $0x88, s3;
	s6 =	simm.s32 @!p1 $0x1082;
	[sflag:s4] =	ssyncset.s32 $0xFFFFF086  }
0x25: {  	[simem:s6], [sflag:s4] =	dma.local [hbm:s3], $0xF7A  }
0x26: {  	[smem:$0x3FA0] =	sst s1;
	(tag) =	ssettag s2;
	_ =	strace s9  }
0x27: {  	s1 =	sld [smem:$0x3FB0]  }
0x28: {  	s2 =	sld [smem:$0x3FB1]  }
0x29: {  	s4 =	sld [smem:$0x3FB3]  }
0x2a: {  	p0 =	seq.s32 s5, $0x0;
	s5 =	sld [smem:$0x3FB4]  }
0x2b: {  	s6 =	sld [smem:$0x3FB5]  }
0x2c: {  	s7 =	sld [smem:$0x3FB6]  }
0x2d: {  	s3 =	simm.s32 $0x108;
	s8 =	sld [smem:$0x3FB7]  }
0x2e: {  	s3 =	simm.s32 @!p0 $0x1082;
	s9 =	sld [smem:$0x3FB8]  }
0x2f: {  	lr =	sadd.s32 s0, s3;
	s0 =	sld [smem:$0x3FAF]  }
0x30: {  	s3 =	sld [smem:$0x3FB2]  }
0x31: {  	[smem:$0x3FBB] =	sst s10  }
0x32: {  	s10 =	sld [smem:$0x3FB9];
	_ =	sdelay $0x3  }
0x33: {  	p0 =	seq.s32 s10, $0x1;
	s10 =	sld [smem:$0x3FBB];
	_ =	sdelay $0x3  }
0x34: {  	[smem:$0x3FBB] =	sst s10  }
0x35: {  	s10 =	sld [smem:$0x3FBA];
	_ =	sdelay $0x3  }
0x36: {  	p1 =	seq.s32 s10, $0x1;
	s10 =	sld [smem:$0x3FBB];
	_ =	sdelay $0x3  }
0x37: {  	[smem:$0x3FBB] =	sst s10  }
0x38: {  	s10 =	sld [smem:$0x3FBC]  }
0x39: {  	_ = 	snop;
	(pc) =	sbr.ind lr, $3  }
0x3a: {  	_ = 	snop  }
0x3b: {  	_ = 	snop  }
0x3c: {  	p2 =	seq.s32 s10, $0x1;
	s10 =	sld [smem:$0x3FBB]  }
0x3d: {  	_ =	shalt  }
0x3e: {  	_ =	shalt  }
0x3f: {  	_ =	shalt  }
0x40: {  	_ =	shalt  }
0x41: {  	_ =	shalt  }
0x42: {  	_ =	shalt  }
0x43: {  	_ =	shalt  }
0x44: {  	_ =	shalt  }
0x45: {  	_ =	shalt  }
0x46: {  	_ =	shalt  }
0x47: {  	_ =	shalt  }
0x48: {  	_ =	shalt  }
0x49: {  	_ =	shalt  }
0x4a: {  	_ =	shalt  }
0x4b: {  	_ =	shalt  }
0x4c: {  	_ =	shalt  }
0x4d: {  	_ =	shalt  }
0x4e: {  	_ =	shalt  }
0x4f: {  	_ =	shalt  }
0x50: {  	_ =	shalt  }
0x51: {  	_ =	shalt  }
0x52: {  	_ =	shalt  }
0x53: {  	_ =	shalt  }
0x54: {  	_ =	shalt  }
0x55: {  	_ =	shalt  }
0x56: {  	_ =	shalt  }
0x57: {  	_ =	shalt  }
0x58: {  	_ =	shalt  }
0x59: {  	_ =	shalt  }
0x5a: {  	_ =	shalt  }
0x5b: {  	_ =	shalt  }
0x5c: {  	_ =	shalt  }
0x5d: {  	_ =	shalt  }
0x5e: {  	_ =	shalt  }
0x5f: {  	_ =	shalt  }
0x60: {  	_ =	shalt  }
0x61: {  	_ =	shalt  }
0x62: {  	_ =	shalt  }
0x63: {  	_ =	shalt  }
0x64: {  	_ =	shalt  }
0x65: {  	_ =	shalt  }
0x66: {  	_ =	shalt  }
0x67: {  	_ =	shalt  }
0x68: {  	_ =	shalt  }
0x69: {  	_ =	shalt  }
0x6a: {  	_ =	shalt  }
0x6b: {  	_ =	shalt  }
0x6c: {  	_ =	shalt  }
0x6d: {  	_ =	shalt  }
0x6e: {  	_ =	shalt  }
0x6f: {  	_ =	shalt  }
0x70: {  	_ =	shalt  }
0x71: {  	_ =	shalt  }
0x72: {  	_ =	shalt  }
0x73: {  	_ =	shalt  }
0x74: {  	_ =	shalt  }
0x75: {  	_ =	shalt  }
0x76: {  	_ =	shalt  }
0x77: {  	_ =	shalt  }
0x78: {  	_ =	shalt  }
0x79: {  	_ =	shalt  }
0x7a: {  	_ =	shalt  }
0x7b: {  	_ =	shalt  }
0x7c: {  	_ =	shalt  }
0x7d: {  	_ =	shalt  }
0x7e: {  	_ =	shalt  }
0x7f: {  	_ =	shalt  }
0x80: {  	_ =	shalt  }
0x81: {  	_ =	shalt  }
0x82: {  	_ =	shalt  }
0x83: {  	_ =	shalt  }
0x84: {  	_ =	shalt  }
0x85: {  	_ =	shalt  }
0x86: {  	_ =	shalt  }
0x87: {  	_ =	shalt  }
.Lfunc_end0:
.L_simem_size_0:
called_computation_lowered:
.L_overlay_start_0:
0x88: {  	s2 =	sld [smem:$0x3FD9]  }
0x89: {  	s3 =	sld [smem:$0x3FFE];
	_ =	sdelay $0x1  }
0x8a: {  	s1 =	srdreg.scid  }
0x8b: {  	s0 =	sand.u32 $0x1, s1  }
0x8c: {  	s18 =	sshll.u32 s0, $0xA;
	s2 =	sadd.s32 s3, s2  }
0x8d: {  	s2 =	sadd.s32 s2, s18  }
0x8e: {  	[smem:$0x3FC7] =	sst s2  }
0x8f: {  	_ = 	snop  }
0x90: {  	s2 =	sld [smem:$0x3FC9]  }
0x91: {  	s19 =	sld [smem:$0x3FD0];
	(tm) =	ssettm $0x1  }
0x92: {  	s4 =	sld [smem:$0x3FFB];
	_ =	sdelay $0x3  }
0x93: {  	_ =	strace s4  }
0x94: {  	s4 =	sld [smem:$0x3FFC];
	_ =	sdelay $0x3  }
0x95: {  	_ =	strace s4  }
0x96: {  	s4 =	sld [smem:$0x3FFD];
	_ =	sdelay $0x3  }
0x97: {  	_ =	strace s4  }
0x98: {  	_ =	strace $0x8FFFFFFF  }
0x99: {  	s20 =	sld [smem:$0x3FDB];
	_ =	sdelay $0x1  }
0x9a: {  	s5 =	simm.s32 $_scs_section_size  }
0x9b: {  	s6 =	simm.s32 $_size__tile_overlayer_lowered;
	s7 =	simm.s32 $_tile_overlayer_lowered  }
0x9c: {  	s23 =	simm.s32 $0x1BFF;
	s22 =	sshll.u32 s7, $0x1;
	s4 =	sadd.s32 s5, s20  }
0x9d: {  	s8 =	simm.s32 $0x0;
	s21 =	sshll.u32 s6, $0x1;
	s6 =	sadd.s32 s22, s4  }
0x9e: {  	[timem:s8], [sflag:s23] =	dma.local [hbm:s6], s21  }
0x9f: {  	_ =	swait.ge [sflag:s23], s21  }
0xa0: {  	s5 =	ssub.s32 $0x0, s21;
	[sflag:s23] =	ssyncset.done $0x0  }
0xa1: {  	[sflag:s23] =	ssyncadd.s32 s5;
	_ =	sdelay $0x1  }
0xa2: {  	s24 =	simm.s32 $0x1B8B  }
0xa3: {  	_ =	swait.ge [sflag:s24], $0x1  }
0xa4: {  	[sflag:s24] =	ssyncset.done $0x0  }
0xa5: {  	s25 =	simm.s32 $0x1B8E;
	[sflag:s24] =	ssyncadd.s32 $0xFFFFFFFF  }
0xa6: {  	s26 =	simm.s32 $execute0_lowered;
	[smem:$0x3FD2] =	sst s25  }
0xa7: {  	s5 =	sshll.u32 s26, $0x1;
	_ =	strace $0x80000046;
	[dreg:$0x1] =	wrdreg $0xFFFFFFFF  }
0xa8: {  	s28 =	simm.s32 $_size_execute0_lowered;
	s4 =	sadd.s32 s4, s5;
	[dreg:$0x0] =	wrdreg $0x0  }
0xa9: {  	s5 =	sshll.u32 s28, $0x1;
	[dreg:$0x2] =	wrdreg s4  }
0xaa: {  	[dreg:$0x3] =	wrdreg s5  }
0xab: {  	[dreg:$0x4] =	wrdreg $0xC0  }
0xac: {  	_ =	task [dreg:s8], $0x5FFFF  }
0xad: {  	[dreg:$0x1] =	wrdreg $0xFFFFFFFF  }
0xae: {  	[dreg:$0x0] =	wrdreg $0x60  }
0xaf: {  	[dreg:$0x2] =	wrdreg s2  }
0xb0: {  	[dreg:$0x3] =	wrdreg s19  }
0xb1: {  	[dreg:$0x4] =	wrdreg $0x9  }
0xb2: {  	_ =	task.clear_ibuf [dreg:s8], $0x5FFFF;
	_ =	strace $0x90000046  }
0xb3: {  	s29 =	simm.s32 $0x9;
	_ =	strace $0x80000048  }
0xb4: {  	_ =	swait.ge [sflag:s29], $0x1  }
0xb5: {  	[sflag:s29] =	ssyncadd.s32 $0xFFFFFFFF  }
0xb6: {  	_ =	strace $0x90000048  }
0xb7: {  	_ =	sfence  }
0xb8: {  	s30 =	sld [smem:$0x0];
	_ =	sdelay $0x2  }
0xb9: {  	s31 =	sshll.u32 s1, $0xD;
	s1 =	sshrl.u32 s1, $0x2  }
0xba: {  	s3 =	sand.u32 $0x4000, s31;
	s1 =	sadd.s32 s1, s30  }
0xbb: {  	s0 =	sor.u32 s3, s0;
	s1 =	sshll.u32 s1, $0x11  }
0xbc: {  	s0 =	sor.u32 s1, s0  }
0xbd: {  	s0 =	sadd.s32 $0x8F2B, s0  }
0xbe: {  	[sflag:s0] =	ssyncadd.remote.s32 $0x1  }
0xbf: {  	_ =	sfence.sel $0xFFFF  }
0xc0: {  	[dreg:$0x0] =	wrdreg $0xFFFFFFFF;
	(pc) =	sbr.abs _section_cstart, $3  }
0xc1: {  	[dreg:$0x1] =	wrdreg $0xFFFFFFFF  }
0xc2: {  	_ =	task.clear_ibuf [dreg:s8], $0x2FFFF;
	_ =	strace $0x9FFFFFFF  }
0xc3: {  	(tm) =	ssettm $0x7FFFFFFF  }
tec
execute0_lowered:
.L_overlay_start_1:
0x0: {  	(tag) =	ssettag $0x1  }
0x1: {  	s1 =	rddreg [dreg:$0x0];
	v0 =	vlaneseq.u32  }
0x2: {  	s0 =	srdreg.scid;
	s2 =	rddreg [dreg:$0x1];
	s3 =	simm.s32 $0x0;
	v1 =	vand.u32 $0x3, v0  }
0x3: {  	s4 =	stileid.u32;
	s8 =	simm.s32 $0x4000;
	s5 =	sand.u32 $0x1, s0;
	v0 =	vmul.u32 $0x2, v0;
	v9 =	vmul.u32 $0x2, v1  }
0x4: {  	s9 =	simm.s32 $0x0;
	s0 =	rddreg [dreg:$0x2];
	s6 =	ssub.s32 $0x2, s5  }
0x5: {  	[smem:$0x7FF] =	sst s3;
	s31 =	sshll.u32 s4, $0xC;
	s7 =	sshrl.u32 s6, $0x1;
	v2 =	vor.u32 $0x1, v0;
	v1 =	vor.u32 $0xFFFFFF18, v9;
	v3 =	vor.u32 $0xFFFFFF38, v9  }
0x6: {  	s5 =	sshll.u32 s5, $0xB;
	_ =	strace $0x80000047;
	s6 =	ssub.s32 s6, s7;
	v4 =	vor.u32 $0xFFFFFF58, v9;
	v5 =	vor.u32 $0xFFFFFF78, v9;
	v6 =	vor.u32 $0xFFFFFF98, v9  }
0x7: {  	s5 =	sor.u32 s5, s31;
	s7 =	simm.s32 $0x1;
	v7 =	vor.u32 $0xFFFFFFB8, v9;
	v8 =	vor.u32 $0xFFFFFFD8, v9;
	v9 =	vor.u32 $0xFFFFFFF8, v9;
	s6 =	smax.u32 s6, $0x1  }
.LBB2_1:
0x8: {  	s10 =	simm.s32 $0x0  }
.LBB2_2:
0x9: {  	s11 =	sshll.u32 s10, $0x10  }
0xa: {  	s11 =	sor.u32 s5, s11  }
0xb: {  	s12 =	sadd.s32 s1, s11  }
0xc: {  	[tilespmem:s3], [sflag:$0x1] =	stream.linear.gather [hbm4b:s12+s3], $0x4000, $0x38;
	[tilespmem:$0x8000] =	vst v63  }
0xd: {  	_ =	swait.ge [sflag:s7], $0x4000  }
0xe: {  	s13 =	simm.s32 $0x0;
	[sflag:s7] =	ssyncset.done $0x0  }
0xf: {  	v10 =	vor.u32 s13, v0;
	s12 =	simm.s32 $0x80;
	[sflag:s7] =	ssyncadd.s32 $0xFFFFC000  }
0x10: {  	v10 =	vand.u32 v1, v10;
	v11 =	vld [tilespmem:s12+$0xFFFFFF80]  }
0x11: {  	v13 =	vor.u32 s13, v2;
	v12 =	vld [tilespmem:s12+$0x0];
	_ =	sdelay $0x3  }
0x12: {  	s25 =	simm.s32 $0x20;
	[tilespmem:v10+s8+$0x0] =	vst.idx.msk $0xffff, v11  }
0x13: {  	v10 =	vor.u32 s25, v0;
	[tilespmem:v13+s8+$0x0] =	vst.idx.msk $0xffff, v12  }
0x14: {  	v10 =	vand.u32 v3, v10;
	v11 =	vld [tilespmem:s12+$0xFFFFFF90]  }
0x15: {  	v57 =	vor.u32 s25, v2;
	v12 =	vld [tilespmem:s12+$0x10];
	_ =	sdelay $0x3  }
0x16: {  	s26 =	simm.s32 $0x40;
	[tilespmem:v10+s8+$0x0] =	vst.idx.msk $0xffff, v11  }
0x17: {  	v10 =	vor.u32 s26, v0;
	[tilespmem:v57+s8+$0x0] =	vst.idx.msk $0xffff, v12  }
0x18: {  	v10 =	vand.u32 v4, v10;
	v11 =	vld [tilespmem:s12+$0xFFFFFFA0]  }
0x19: {  	v58 =	vor.u32 s26, v2;
	v12 =	vld [tilespmem:s12+$0x20];
	_ =	sdelay $0x3  }
0x1a: {  	s28 =	simm.s32 $0x60;
	[tilespmem:v10+s8+$0x0] =	vst.idx.msk $0xffff, v11  }
0x1b: {  	v10 =	vor.u32 s28, v0;
	[tilespmem:v58+s8+$0x0] =	vst.idx.msk $0xffff, v12  }
0x1c: {  	v10 =	vand.u32 v5, v10;
	v11 =	vld [tilespmem:s12+$0xFFFFFFB0]  }
0x1d: {  	v59 =	vor.u32 s28, v2;
	v12 =	vld [tilespmem:s12+$0x30];
	_ =	sdelay $0x3  }
0x1e: {  	s29 =	simm.s32 $0x80;
	[tilespmem:v10+s8+$0x0] =	vst.idx.msk $0xffff, v11  }
0x1f: {  	v10 =	vor.u32 s29, v0;
	[tilespmem:v59+s8+$0x0] =	vst.idx.msk $0xffff, v12  }
0x20: {  	v10 =	vand.u32 v6, v10;
	v11 =	vld [tilespmem:s12+$0xFFFFFFC0]  }
0x21: {  	v60 =	vor.u32 s29, v2;
	v12 =	vld [tilespmem:s12+$0x40];
	_ =	sdelay $0x3  }
0x22: {  	s30 =	simm.s32 $0xA0;
	[tilespmem:v10+s8+$0x0] =	vst.idx.msk $0xffff, v11  }
0x23: {  	v10 =	vor.u32 s30, v0;
	[tilespmem:v60+s8+$0x0] =	vst.idx.msk $0xffff, v12  }
0x24: {  	v10 =	vand.u32 v7, v10;
	v11 =	vld [tilespmem:s12+$0xFFFFFFD0]  }
0x25: {  	v61 =	vor.u32 s30, v2;
	v12 =	vld [tilespmem:s12+$0x50];
	_ =	sdelay $0x3  }
0x26: {  	s31 =	simm.s32 $0xC0;
	[tilespmem:v10+s8+$0x0] =	vst.idx.msk $0xffff, v11  }
0x27: {  	v10 =	vor.u32 s31, v0;
	[tilespmem:v61+s8+$0x0] =	vst.idx.msk $0xffff, v12  }
0x28: {  	v10 =	vand.u32 v8, v10;
	v11 =	vld [tilespmem:s12+$0xFFFFFFE0]  }
0x29: {  	v62 =	vor.u32 s31, v2;
	v12 =	vld [tilespmem:s12+$0x60];
	_ =	sdelay $0x3  }
0x2a: {  	s15 =	simm.s32 $0xE0;
	[tilespmem:v10+s8+$0x0] =	vst.idx.msk $0xffff, v11  }
0x2b: {  	v10 =	vor.u32 s15, v0;
	[tilespmem:v62+s8+$0x0] =	vst.idx.msk $0xffff, v12  }
0x2c: {  	v63 =	vand.u32 v9, v10;
	v12 =	vld [tilespmem:s12+$0xFFFFFFF0];
	_ =	sdelay $0x1  }
0x2d: {  	v11 =	vor.u32 s15, v2;
	v10 =	vld [tilespmem:s12+$0x70];
	_ =	sdelay $0x2  }
0x2e: {  	s14 =	simm.s32 $0x2E0;
	s16 =	simm.s32 $0x100;
	s13 =	simm.s32 $0x1E0;
	[tilespmem:v63+s8+$0x0] =	vst.idx.msk $0xffff, v12  }
.LBB2_3:
0x2f: {  	p0 =	sne.s32 s14, $0x3FE0  }
0x30: {  	v12 =	vor.u32 s16, v0;
	[tilespmem:v11+s8+$0x0] =	vst.idx.msk $0xffff, v10;
	s12 =	sadd.s32 $0x100, s12;
	s15 =	smov.u32 s14;
	s14 =	sadd.s32 $0x100, s14  }
0x31: {  	v10 =	vld [tilespmem:s12+$0xFFFFFF80];
	v11 =	vand.u32 v1, v12  }
0x32: {  	v13 =	vor.u32 s16, v2;
	v12 =	vld [tilespmem:s12+$0x0];
	_ =	sdelay $0x3  }
0x33: {  	s16 =	sadd.s32 $0xFFFFFF40, s13;
	[tilespmem:v11+s8+$0x0] =	vst.idx.msk $0xffff, v10  }
0x34: {  	v10 =	vor.u32 s16, v0;
	[tilespmem:v13+s8+$0x0] =	vst.idx.msk $0xffff, v12  }
0x35: {  	v10 =	vand.u32 v3, v10;
	v11 =	vld [tilespmem:s12+$0xFFFFFF90]  }
0x36: {  	v13 =	vor.u32 s16, v2;
	v12 =	vld [tilespmem:s12+$0x10];
	_ =	sdelay $0x3  }
0x37: {  	s16 =	sadd.s32 $0xFFFFFF60, s13;
	[tilespmem:v10+s8+$0x0] =	vst.idx.msk $0xffff, v11  }
0x38: {  	v10 =	vor.u32 s16, v0;
	[tilespmem:v13+s8+$0x0] =	vst.idx.msk $0xffff, v12  }
0x39: {  	v10 =	vand.u32 v4, v10;
	v11 =	vld [tilespmem:s12+$0xFFFFFFA0]  }
0x3a: {  	v13 =	vor.u32 s16, v2;
	v12 =	vld [tilespmem:s12+$0x20];
	_ =	sdelay $0x3  }
0x3b: {  	s16 =	sadd.s32 $0xFFFFFF80, s13;
	[tilespmem:v10+s8+$0x0] =	vst.idx.msk $0xffff, v11  }
0x3c: {  	v10 =	vor.u32 s16, v0;
	[tilespmem:v13+s8+$0x0] =	vst.idx.msk $0xffff, v12  }
0x3d: {  	v10 =	vand.u32 v5, v10;
	v11 =	vld [tilespmem:s12+$0xFFFFFFB0]  }
0x3e: {  	v13 =	vor.u32 s16, v2;
	v12 =	vld [tilespmem:s12+$0x30];
	_ =	sdelay $0x3  }
0x3f: {  	s16 =	sadd.s32 $0xFFFFFFA0, s13;
	[tilespmem:v10+s8+$0x0] =	vst.idx.msk $0xffff, v11  }
0x40: {  	v10 =	vor.u32 s16, v0;
	[tilespmem:v13+s8+$0x0] =	vst.idx.msk $0xffff, v12  }
0x41: {  	v10 =	vand.u32 v6, v10;
	v11 =	vld [tilespmem:s12+$0xFFFFFFC0]  }
0x42: {  	v13 =	vor.u32 s16, v2;
	v12 =	vld [tilespmem:s12+$0x40];
	_ =	sdelay $0x3  }
0x43: {  	s16 =	sadd.s32 $0xFFFFFFC0, s13;
	[tilespmem:v10+s8+$0x0] =	vst.idx.msk $0xffff, v11  }
0x44: {  	v10 =	vor.u32 s16, v0;
	[tilespmem:v13+s8+$0x0] =	vst.idx.msk $0xffff, v12  }
0x45: {  	v10 =	vand.u32 v7, v10;
	v11 =	vld [tilespmem:s12+$0xFFFFFFD0]  }
0x46: {  	v13 =	vor.u32 s16, v2;
	v12 =	vld [tilespmem:s12+$0x50];
	_ =	sdelay $0x3  }
0x47: {  	s16 =	sadd.s32 $0xFFFFFFE0, s13;
	[tilespmem:v10+s8+$0x0] =	vst.idx.msk $0xffff, v11  }
0x48: {  	v10 =	vor.u32 s16, v0;
	[tilespmem:v13+s8+$0x0] =	vst.idx.msk $0xffff, v12  }
0x49: {  	v10 =	vand.u32 v8, v10;
	v11 =	vld [tilespmem:s12+$0xFFFFFFE0]  }
0x4a: {  	v13 =	vor.u32 s16, v2;
	v12 =	vld [tilespmem:s12+$0x60];
	_ =	sdelay $0x3  }
0x4b: {  	[tilespmem:v10+s8+$0x0] =	vst.idx.msk $0xffff, v11  }
0x4c: {  	v10 =	vor.u32 s13, v0;
	[tilespmem:v13+s8+$0x0] =	vst.idx.msk $0xffff, v12  }
0x4d: {  	v13 =	vand.u32 v9, v10;
	v12 =	vld [tilespmem:s12+$0xFFFFFFF0]  }
.Ltmp0:
0x4e: {  	v11 =	vor.u32 s13, v2;
	s13 =	smov.u32 s15;
	v10 =	vld [tilespmem:s12+$0x70];
	(pc) =	sbr.rel @p0 .LBB2_3-.Ltmp0, $2  }
0x4f: {  	_ =	sdelay $0x2  }
0x50: {  	s16 =	sadd.s32 $0xFFFFFF20, s13;
	[tilespmem:v13+s8+$0x0] =	vst.idx.msk $0xffff, v12  }
0x51: {  	_ =	sdelay $0x3  }
0x52: {  	v12 =	vor.u32 s16, v0;
	[tilespmem:v11+s8+$0x0] =	vst.idx.msk $0xffff, v10;
	s12 =	sadd.s32 $0x100, s12  }
0x53: {  	v10 =	vld [tilespmem:s12+$0xFFFFFF80];
	v11 =	vand.u32 v1, v12  }
0x54: {  	v13 =	vor.u32 s16, v2;
	v56 =	vld [tilespmem:s12+$0x0];
	_ =	sdelay $0x3  }
0x55: {  	s14 =	sadd.s32 $0xFFFFFF40, s13;
	[tilespmem:v11+s8+$0x0] =	vst.idx.msk $0xffff, v10  }
0x56: {  	v10 =	vor.u32 s14, v0;
	[tilespmem:v13+s8+$0x0] =	vst.idx.msk $0xffff, v56  }
0x57: {  	v10 =	vand.u32 v3, v10;
	v11 =	vld [tilespmem:s12+$0xFFFFFF90]  }
0x58: {  	v57 =	vor.u32 s14, v2;
	v12 =	vld [tilespmem:s12+$0x10];
	_ =	sdelay $0x3  }
0x59: {  	s26 =	sadd.s32 $0xFFFFFF60, s13;
	[tilespmem:v10+s8+$0x0] =	vst.idx.msk $0xffff, v11  }
0x5a: {  	v10 =	vor.u32 s26, v0;
	[tilespmem:v57+s8+$0x0] =	vst.idx.msk $0xffff, v12  }
0x5b: {  	v10 =	vand.u32 v4, v10;
	v11 =	vld [tilespmem:s12+$0xFFFFFFA0]  }
0x5c: {  	v58 =	vor.u32 s26, v2;
	v12 =	vld [tilespmem:s12+$0x20];
	_ =	sdelay $0x3  }
0x5d: {  	s28 =	sadd.s32 $0xFFFFFF80, s13;
	[tilespmem:v10+s8+$0x0] =	vst.idx.msk $0xffff, v11  }
0x5e: {  	v10 =	vor.u32 s28, v0;
	[tilespmem:v58+s8+$0x0] =	vst.idx.msk $0xffff, v12  }
0x5f: {  	v10 =	vand.u32 v5, v10;
	v11 =	vld [tilespmem:s12+$0xFFFFFFB0]  }
0x60: {  	v59 =	vor.u32 s28, v2;
	v12 =	vld [tilespmem:s12+$0x30];
	_ =	sdelay $0x3  }
0x61: {  	s29 =	sadd.s32 $0xFFFFFFA0, s13;
	[tilespmem:v10+s8+$0x0] =	vst.idx.msk $0xffff, v11  }
0x62: {  	v10 =	vor.u32 s29, v0;
	[tilespmem:v59+s8+$0x0] =	vst.idx.msk $0xffff, v12  }
0x63: {  	v10 =	vand.u32 v6, v10;
	v11 =	vld [tilespmem:s12+$0xFFFFFFC0]  }
0x64: {  	v60 =	vor.u32 s29, v2;
	v12 =	vld [tilespmem:s12+$0x40];
	_ =	sdelay $0x3  }
0x65: {  	s30 =	sadd.s32 $0xFFFFFFC0, s13;
	[tilespmem:v10+s8+$0x0] =	vst.idx.msk $0xffff, v11  }
0x66: {  	v10 =	vor.u32 s30, v0;
	[tilespmem:v60+s8+$0x0] =	vst.idx.msk $0xffff, v12  }
0x67: {  	v10 =	vand.u32 v7, v10;
	v11 =	vld [tilespmem:s12+$0xFFFFFFD0]  }
0x68: {  	v61 =	vor.u32 s30, v2;
	v12 =	vld [tilespmem:s12+$0x50];
	_ =	sdelay $0x3  }
0x69: {  	s31 =	sadd.s32 $0xFFFFFFE0, s13;
	[tilespmem:v10+s8+$0x0] =	vst.idx.msk $0xffff, v11  }
0x6a: {  	v10 =	vor.u32 s31, v0;
	[tilespmem:v61+s8+$0x0] =	vst.idx.msk $0xffff, v12  }
0x6b: {  	v10 =	vand.u32 v8, v10;
	v11 =	vld [tilespmem:s12+$0xFFFFFFE0]  }
0x6c: {  	v62 =	vor.u32 s31, v2;
	v12 =	vld [tilespmem:s12+$0x60];
	_ =	sdelay $0x3  }
0x6d: {  	[tilespmem:v10+s8+$0x0] =	vst.idx.msk $0xffff, v11  }
0x6e: {  	v10 =	vor.u32 s13, v0;
	[tilespmem:v62+s8+$0x0] =	vst.idx.msk $0xffff, v12  }
0x6f: {  	v10 =	vand.u32 v9, v10;
	v11 =	vld [tilespmem:s12+$0xFFFFFFF0]  }
0x70: {  	v63 =	vor.u32 s13, v2;
	v12 =	vld [tilespmem:s12+$0x70];
	_ =	sdelay $0x2  }
0x71: {  	s10 =	sadd.s32 $0x1, s10  }
0x72: {  	p0 =	sne.s32 s10, $0x10;
	[tilespmem:v10+s8+$0x0] =	vst.idx.msk $0xffff, v11  }
.Ltmp1:
0x73: {  	s11 =	sadd.s32 s2, s11;
	[tilespmem:v63+s8+$0x0] =	vst.idx.msk $0xffff, v12;
	(pc) =	sbr.rel @p0 .LBB2_2-.Ltmp1, $4  }
0x74: {  	[hbm4b:s11+s3] =	stream.linear.scatter [tilespmem:s8], [sflag:$0x1], $0x4000, $0x38;
	[tilespmem:$0x8000] =	vst v63  }
0x75: {  	_ =	swait.ge [sflag:s7], $0x4000  }
0x76: {  	[sflag:s7] =	ssyncset.done $0x0  }
0x77: {  	[sflag:s7] =	ssyncadd.s32 $0xFFFFC000  }
0x78: {  	s9 =	sadd.s32 $0x1, s9  }
0x79: {  	p0 =	sne.s32 s9, s6  }
.Ltmp2:
0x7a: {  	_ = 	snop;
	(pc) =	sbr.rel @p0 .LBB2_1-.Ltmp2, $1  }
0x7b: {  	_ =	sdelay $0x3  }
0x7c: {  	_ =	sfence.sel $0x180000  }
0x7d: {  	[bflag:$0x0] =	sbarrier.arrive $0xFFFF  }
0x7e: {  	p0 =	sne.s32 s4, $0x0;
	_ =	strace $0x90000047  }
0x7f: {  	s0 =	sadd.s32 @!p0 $0x100000, s0;
	[bflag:$0x2] =	sbarrier.arrive $0xFFFF  }
0x80: {  	[sflag:s0] =	ssyncadd.tile.s32 @!p0 $0x1;
	_ =	shalt  }
.Lfunc_end2:
_tile_overlayer_lowered:
.L_overlay_start_2:
0x81: {  	(tag) =	ssettag $0x2  }
0x82: {  	s0 =	rddreg [dreg:$0x0];
	s2 =	stileid.u32  }
0x83: {  	s1 =	rddreg [dreg:$0x1];
	p0 =	sne.s32 s2, $0x0  }
0x84: {  	s3 =	rddreg [dreg:$0x2];
	[bflag:$0x3] =	sbarrier.arrive $0xFFFF;
	s2 =	simm.s32 @!p0 $0x1C01  }
0x85: {  	[timem:s3], [sflag:s2] =	dma.local @!p0 [hbm:s0], s1  }
0x86: {  	s0 =	simm.s32 @!p0 $0x1  }
0x87: {  	_ =	swait.ge @!p0 [sflag:s0], s1  }
0x88: {  	s1 =	ssub.s32 @!p0 $0x0, s1;
	[sflag:s0] =	ssyncset.done @!p0 $0x0  }
0x89: {  	[sflag:s0] =	ssyncadd.s32 @!p0 s1  }
0x8a: {  	[bflag:$0x3] =	sbarrier.arrive $0xFFFF  }
0x8b: {  	_ =	shalt  }

</sc_bundles>
